<compile_context>
chip_gen: v7x
topology: tpu7x:2x2x1
jax: 0.10.2.dev20260603
libtpu: 0.0.44.dev20260713+nightly
codegen_flags: <defaults>
</compile_context>

<pallas_src>
import functools
import math

import jax
import jax.numpy as jnp
from jax import lax
from jax.experimental import pallas as pl
from jax.experimental.pallas import tpu as pltpu
from jax.experimental.pallas import tpu_sc as plsc

N = 10000
DIN = 128
DH = 128
DOUT = 64
E = 320000
NC = 2
NS = 16
NW = NC * NS
EPT = E // NW
K = 80
NCHUNK = EPT // K
KC = 128
NFULL = EPT // KC
NPAIR = NFULL // 2
KT = EPT - NFULL * KC
RPS = N // NS
RPA = 624
RTAIL = N - NS * RPA
ROWB = 1000
GRID = N // ROWB
BN_SCALE = 1.0 / math.sqrt(1.0 + 1e-5)

_MESH = plsc.VectorSubcoreMesh(core_axis_name="core", subcore_axis_name="subcore")



@functools.partial(
    pl.kernel,
    out_type=jax.ShapeDtypeStruct((NC, N, DH), jnp.float32),
    mesh=_MESH,
    scratch_types=[
        pltpu.VMEM((EPT,), jnp.int32),
        pltpu.VMEM((KC,), jnp.int32),
        pltpu.VMEM((KC,), jnp.int32),
        pltpu.VMEM((KT,), jnp.int32),
        pltpu.VMEM((KC, DH), jnp.float32),
        pltpu.VMEM((KC, DH), jnp.float32),
        pltpu.VMEM((KT, DH), jnp.float32),
        pltpu.VMEM_SHARED((N, DH), jnp.float32),
        pltpu.SemaphoreType.DMA,
        pltpu.SemaphoreType.DMA,
        pltpu.SemaphoreType.DMA,
        pltpu.SemaphoreType.DMA,
    ],
)
def _agg_kernel(g_hbm, src_hbm, dst_hbm, part_hbm, sidx_all, didx0, didx1,
                didxt, rows0, rows1, rowst, acc, sd0, sd1, sg0, sg1):
    c = lax.axis_index("core")
    s = lax.axis_index("subcore")
    wid = c * NS + s
    r0 = s * RPA
    base0 = wid * EPT

    pltpu.sync_copy(g_hbm.at[pl.ds(r0, RPA)], acc.at[pl.ds(r0, RPA)])

    @pl.when(s == NS - 1)
    def _():
        pltpu.sync_copy(g_hbm.at[pl.ds(NS * RPA, RTAIL)],
                        acc.at[pl.ds(NS * RPA, RTAIL)])

    pltpu.sync_copy(src_hbm.at[pl.ds(base0, EPT)], sidx_all)
    plsc.subcore_barrier()

    def _didx(ck, buf, sem):
        return pltpu.make_async_copy(
            dst_hbm.at[pl.ds(base0 + ck * KC, KC)], buf, sem)

    def _gath(ck, buf, sem):
        return pltpu.make_async_copy(
            g_hbm.at[sidx_all.at[pl.ds(ck * KC, KC)]], buf, sem)

    _didx(0, didx0, sd0).start()
    _gath(0, rows0, sg0).start()

    @pl.loop(0, NPAIR)
    def _(t):
        a = 2 * t
        _didx(a, didx0, sd0).wait()
        _gath(a, rows0, sg0).wait()
        _didx(a + 1, didx1, sd1).start()
        _gath(a + 1, rows1, sg1).start()
        pltpu.sync_copy(rows0, acc.at[didx0], add=True)
        _didx(a + 1, didx1, sd1).wait()
        _gath(a + 1, rows1, sg1).wait()

        @pl.when(t < NPAIR - 1)
        def _():
            _didx(a + 2, didx0, sd0).start()
            _gath(a + 2, rows0, sg0).start()

        pltpu.sync_copy(rows1, acc.at[didx1], add=True)

    pltpu.sync_copy(dst_hbm.at[pl.ds(base0 + NFULL * KC, KT)], didxt)
    pltpu.sync_copy(g_hbm.at[sidx_all.at[pl.ds(NFULL * KC, KT)]], rowst)
    pltpu.sync_copy(rowst, acc.at[didxt], add=True)

    plsc.subcore_barrier()
    pltpu.sync_copy(acc.at[pl.ds(r0, RPA)], part_hbm.at[c, pl.ds(r0, RPA)])

    @pl.when(s == NS - 1)
    def _():
        pltpu.sync_copy(acc.at[pl.ds(NS * RPA, RTAIL)],
                        part_hbm.at[c, pl.ds(NS * RPA, RTAIL)])



@functools.partial(
    pl.kernel,
    out_type=jax.ShapeDtypeStruct((NC, N, DH), jnp.float32),
    mesh=_MESH,
    scratch_types=[
        pltpu.VMEM((KC,), jnp.int32),
        pltpu.VMEM((KC,), jnp.int32),
        pltpu.VMEM((KT,), jnp.int32),
        pltpu.VMEM((KC, DH), jnp.float32),
        pltpu.VMEM_SHARED((N, DH), jnp.float32),
        pltpu.SemaphoreType.DMA,
        pltpu.SemaphoreType.DMA,
    ],
)
def _deg_kernel(ones_hbm, dst_hbm, part_hbm, didx0, didx1, didxt, ones,
                acc, sd0, sd1):
    c = lax.axis_index("core")
    s = lax.axis_index("subcore")
    wid = c * NS + s
    r0 = s * RPA
    base0 = wid * EPT

    pltpu.sync_copy(ones_hbm.at[pl.ds(r0, RPA)], acc.at[pl.ds(r0, RPA)])

    @pl.when(s == NS - 1)
    def _():
        pltpu.sync_copy(ones_hbm.at[pl.ds(NS * RPA, RTAIL)],
                        acc.at[pl.ds(NS * RPA, RTAIL)])

    pltpu.sync_copy(ones_hbm.at[pl.ds(0, KC)], ones)
    plsc.subcore_barrier()

    def _didx(ck, buf, sem):
        return pltpu.make_async_copy(
            dst_hbm.at[pl.ds(base0 + ck * KC, KC)], buf, sem)

    _didx(0, didx0, sd0).start()

    @pl.loop(0, NPAIR)
    def _(t):
        a = 2 * t
        _didx(a, didx0, sd0).wait()
        _didx(a + 1, didx1, sd1).start()
        pltpu.sync_copy(ones, acc.at[didx0], add=True)
        _didx(a + 1, didx1, sd1).wait()

        @pl.when(t < NPAIR - 1)
        def _():
            _didx(a + 2, didx0, sd0).start()

        pltpu.sync_copy(ones, acc.at[didx1], add=True)

    pltpu.sync_copy(dst_hbm.at[pl.ds(base0 + NFULL * KC, KT)], didxt)
    pltpu.sync_copy(ones.at[pl.ds(0, KT)], acc.at[didxt], add=True)

    plsc.subcore_barrier()
    pltpu.sync_copy(acc.at[pl.ds(r0, RPA)], part_hbm.at[c, pl.ds(r0, RPA)])

    @pl.when(s == NS - 1)
    def _():
        pltpu.sync_copy(acc.at[pl.ds(NS * RPA, RTAIL)],
                        part_hbm.at[c, pl.ds(NS * RPA, RTAIL)])



def _dis_from_deg(deg_blk):
    d = deg_blk[0][:, 0:1] + deg_blk[1][:, 0:1] - 1.0
    return 1.0 / jnp.sqrt(d)


def _mm(a, b):
    return lax.dot_general(a, b, (((1,), (0,)), ((), ())),
                           precision=lax.Precision.HIGHEST,
                           preferred_element_type=jnp.float32)


def _mm1_body(x_ref, w_ref, deg_ref, g_ref):
    g_ref[...] = _mm(x_ref[...], w_ref[...]) * _dis_from_deg(deg_ref[...])


def _mid_body(part_ref, g_ref, deg_ref, b_ref, gam_ref, bet_ref, w_ref, o_ref):
    dis = _dis_from_deg(deg_ref[...])
    p = part_ref[...]
    t = (p[0] + p[1] - g_ref[...]) * dis + b_ref[...]
    t = t * (BN_SCALE * gam_ref[...]) + bet_ref[...]
    e = jnp.where(t > 0, t, jnp.exp(t) - 1.0)
    o_ref[...] = _mm(e, w_ref[...]) * dis


def _out_body(part_ref, g_ref, deg_ref, b_ref, gam_ref, bet_ref, w_ref, bp_ref, o_ref):
    dis = _dis_from_deg(deg_ref[...])
    p = part_ref[...]
    t = (p[0] + p[1] - g_ref[...]) * dis + b_ref[...]
    t = t * (BN_SCALE * gam_ref[...]) + bet_ref[...]
    e = jnp.where(t > 0, t, jnp.exp(t) - 1.0)
    o_ref[...] = _mm(e, w_ref[...]) + bp_ref[...]


def _rows_spec(d):
    return pl.BlockSpec((ROWB, d), lambda i: (i, 0))


def _full_spec(shape):
    nd = len(shape)
    return pl.BlockSpec(shape, lambda i, _nd=nd: (0,) * _nd)


def _part_spec(d):
    return pl.BlockSpec((NC, ROWB, d), lambda i: (0, i, 0))


_DEG_SPEC = pl.BlockSpec((NC, ROWB, DH), lambda i: (0, i, 0))


def _tc_call(body, in_specs, out_d):
    return pl.pallas_call(
        body,
        grid=(GRID,),
        in_specs=in_specs,
        out_specs=_rows_spec(out_d),
        out_shape=jax.ShapeDtypeStruct((N, out_d), jnp.float32),
    )



def kernel(x, edge_index, W1, b1, g1, be1, W2, b2, g2, be2, Wp, bp):
    src = edge_index[0].astype(jnp.int32)
    dst = edge_index[1].astype(jnp.int32)
    b1r, gm1, bt1 = b1.reshape(1, DH), g1.reshape(1, DH), be1.reshape(1, DH)
    b2r, gm2, bt2 = b2.reshape(1, DH), g2.reshape(1, DH), be2.reshape(1, DH)
    bpr = bp.reshape(1, DOUT)

    ones_n = jnp.ones((N, DH), jnp.float32)
    deg_part = _deg_kernel(ones_n, dst)

    g1s = _tc_call(_mm1_body,
                   [_rows_spec(DIN), _full_spec((DIN, DH)), _DEG_SPEC],
                   DH)(x, W1, deg_part)

    part1 = _agg_kernel(g1s, src, dst)

    g2s = _tc_call(
        _mid_body,
        [_part_spec(DH), _rows_spec(DH), _DEG_SPEC, _full_spec((1, DH)),
         _full_spec((1, DH)), _full_spec((1, DH)), _full_spec((DH, DH))],
        DH,
    )(part1, g1s, deg_part, b1r, gm1, bt1, W2)

    part2 = _agg_kernel(g2s, src, dst)

    out = _tc_call(
        _out_body,
        [_part_spec(DH), _rows_spec(DH), _DEG_SPEC, _full_spec((1, DH)),
         _full_spec((1, DH)), _full_spec((1, DH)), _full_spec((DH, DOUT)),
         _full_spec((1, DOUT))],
        DOUT,
    )(part2, g2s, deg_part, b2r, gm2, bt2, Wp, bpr)

    return out

# --- scband reference (transcript-rebuilt; emitter-appended) ---
"""Pipeline reference for scband-velocity-gnn-51573967290793 (READ-ONLY COPY).

The authoritative reference and input builder live on the scoring server;
editing this copy changes nothing except your own understanding.
"""

import jax, jax.numpy as jnp
import numpy as np

N = 10000
E = 320000
D_IN = 128
D_H = 128
D_OUT = 64
BN_EPS = 1e-5


def gcn_conv(x, edge_index, W, b, n):
    # PyG-style GCNConv: add self-loops, symmetric normalization, linear transform,
    # scatter-add aggregation, then bias.
    src = edge_index[0]
    dst = edge_index[1]
    loop = jnp.arange(n, dtype=edge_index.dtype)
    src = jnp.concatenate([src, loop])
    dst = jnp.concatenate([dst, loop])
    h = x @ W
    deg = jnp.zeros((n,), dtype=x.dtype).at[dst].add(1.0)
    deg_inv_sqrt = jnp.where(deg > 0, 1.0 / jnp.sqrt(jnp.maximum(deg, 1e-12)), 0.0)
    norm = deg_inv_sqrt[src] * deg_inv_sqrt[dst]
    msg = h[src] * norm[:, None]
    out = jnp.zeros((n, W.shape[1]), dtype=x.dtype).at[dst].add(msg)
    return out + b


def bn_eval(x, gamma, beta):
    # BatchNorm1d in eval mode: running_mean=0, running_var=1
    return x / jnp.sqrt(1.0 + BN_EPS) * gamma + beta


def setup_inputs(seed: int = 0) -> dict:
    key = jax.random.key(seed)
    ks = jax.random.split(key, 8)
    x = jax.random.normal(ks[0], (N, D_IN), dtype=jnp.float32)
    edge_index = jax.random.randint(ks[1], (2, E), 0, N)
    W1 = jax.random.normal(ks[2], (D_IN, D_H), dtype=jnp.float32) * (1.0 / np.sqrt(D_IN))
    b1 = jnp.zeros((D_H,), dtype=jnp.float32)
    g1 = jnp.ones((D_H,), dtype=jnp.float32)
    be1 = jnp.zeros((D_H,), dtype=jnp.float32)
    W2 = jax.random.normal(ks[3], (D_H, D_H), dtype=jnp.float32) * (1.0 / np.sqrt(D_H))
    b2 = jnp.zeros((D_H,), dtype=jnp.float32)
    g2 = jnp.ones((D_H,), dtype=jnp.float32)
    be2 = jnp.zeros((D_H,), dtype=jnp.float32)
    Wp = jax.random.normal(ks[4], (D_H, D_OUT), dtype=jnp.float32) * (1.0 / np.sqrt(D_H))
    bp = jnp.zeros((D_OUT,), dtype=jnp.float32)
    return {"x": x, "edge_index": edge_index, "W1": W1, "b1": b1, "g1": g1, "be1": be1,
            "W2": W2, "b2": b2, "g2": g2, "be2": be2, "Wp": Wp, "bp": bp}


def reference(x, edge_index, W1, b1, g1, be1, W2, b2, g2, be2, Wp, bp):
    h = gcn_conv(x, edge_index, W1, b1, N)
    h = jax.nn.elu(bn_eval(h, g1, be1))
    # dropout p=0.3 is identity in eval mode
    h = gcn_conv(h, edge_index, W2, b2, N)
    h = jax.nn.elu(bn_eval(h, g2, be2))
    out = h @ Wp + bp
    return out

if __name__ == "__main__":
    import jax
    _d = setup_inputs()
    print(jax.jit(kernel)(*tuple(_d.values())))

</pallas_src>

<mosaic_0001>
#map = affine_map<(d0, d1) -> (0, 0)>
#map1 = affine_map<(d0, d1) -> (0)>
#map2 = affine_map<(d0, d1) -> (0, 0, 0)>
module attributes {stable_mosaic.version = 14 : i64} {
  func.func @_deg_kernel(%arg0: i32, %arg1: i32, %arg2: memref<10000x128xf32, #tpu.memory_space<hbm>>, %arg3: memref<320000xi32, #tpu.memory_space<hbm>>, %arg4: memref<2x10000x128xf32, #tpu.memory_space<hbm>>, %arg5: memref<128xi32, #tpu.memory_space<vmem>>, %arg6: memref<128xi32, #tpu.memory_space<vmem>>, %arg7: memref<16xi32, #tpu.memory_space<vmem>>, %arg8: memref<128x128xf32, #tpu.memory_space<vmem>>, %arg9: memref<10000x128xf32, #tpu.memory_space<vmem_shared>>, %arg10: memref<!tpu.dma_semaphore, #tpu.memory_space<semaphore_mem>>, %arg11: memref<!tpu.dma_semaphore, #tpu.memory_space<semaphore_mem>>) attributes {dimension_semantics = [#tpu.dimension_semantics<core_parallel>, #tpu.dimension_semantics<subcore_parallel>], iteration_bounds = array<i64: 2, 16>, scalar_prefetch = 0 : i64, scratch_operands = 7 : i64, tpu.core_type = #tpu.core_type<sc_vector_subcore>, window_params = [{transform_indices = #map}, {transform_indices = #map1}, {transform_indices = #map2}]} {
    %mul3A = arith.constant 16 : i32
    %mul3A_0 = arith.muli %arg0, %mul3A : i32
    %add3A = arith.addi %mul3A_0, %arg1 : i32
    %mul3A_1 = arith.constant 624 : i32
    %mul3A_2 = arith.muli %arg1, %mul3A_1 : i32
    %mul3A_3 = arith.constant 10000 : i32
    %mul3A_4 = arith.muli %add3A, %mul3A_3 : i32
    "tpu.region"() ({
      %run_scoped3A = tpu.sem_alloc : memref<!tpu.dma_semaphore, #tpu.memory_space<semaphore_mem>>
      %dma_start3A_22 = arith.constant 0 : i32
      %dma_start3A_23 = tpu.memref_slice %arg9[%mul3A_2, %dma_start3A_22] : memref<10000x128xf32, #tpu.memory_space<vmem_shared>> -> memref<624x128xf32, #tpu.memory_space<vmem_shared>>
      %dma_start3A_24 = arith.constant 0 : i32
      %dma_start3A_25 = tpu.memref_slice %arg2[%mul3A_2, %dma_start3A_24] : memref<10000x128xf32, #tpu.memory_space<hbm>> -> memref<624x128xf32, #tpu.memory_space<hbm>>
      tpu.enqueue_dma source(%dma_start3A_25 : memref<624x128xf32, #tpu.memory_space<hbm>>) target(%dma_start3A_23 : memref<624x128xf32, #tpu.memory_space<vmem_shared>>) target_semaphore(%run_scoped3A : memref<!tpu.dma_semaphore, #tpu.memory_space<semaphore_mem>>)
      %dma_wait3A = arith.constant 0 : i32
      %dma_wait3A_26 = tpu.memref_slice %arg9[%mul3A_2, %dma_wait3A] : memref<10000x128xf32, #tpu.memory_space<vmem_shared>> -> memref<624x128xf32, #tpu.memory_space<vmem_shared>>
      %dma_wait3A_27 = arith.constant 0 : i32
      %dma_wait3A_28 = tpu.memref_slice %arg2[%mul3A_2, %dma_wait3A_27] : memref<10000x128xf32, #tpu.memory_space<hbm>> -> memref<624x128xf32, #tpu.memory_space<hbm>>
      tpu.wait_dma2 semaphore(%run_scoped3A : memref<!tpu.dma_semaphore, #tpu.memory_space<semaphore_mem>>) src(%dma_wait3A_28 : memref<624x128xf32, #tpu.memory_space<hbm>>) dst(%dma_wait3A_26 : memref<624x128xf32, #tpu.memory_space<vmem_shared>>)
      tpu.yield
    }) : () -> ()
    %eq3A = arith.constant 15 : i32
    %eq3A_5 = arith.cmpi eq, %arg1, %eq3A : i32
    %convert_element_type3A = arith.extui %eq3A_5 : i1 to i32
    %cond3A = arith.constant 0 : i32
    %cond3A_6 = arith.cmpi ne, %convert_element_type3A, %cond3A : i32
    scf.if %cond3A_6 {
      "tpu.region"() ({
        %run_scoped3A = tpu.sem_alloc : memref<!tpu.dma_semaphore, #tpu.memory_space<semaphore_mem>>
        %dma_start3A_22 = arith.constant 9984 : i32
        %dma_start3A_23 = arith.constant 0 : i32
        %dma_start3A_24 = tpu.memref_slice %arg9[%dma_start3A_22, %dma_start3A_23] : memref<10000x128xf32, #tpu.memory_space<vmem_shared>> -> memref<16x128xf32, #tpu.memory_space<vmem_shared>>
        %dma_start3A_25 = arith.constant 9984 : i32
        %dma_start3A_26 = arith.constant 0 : i32
        %dma_start3A_27 = tpu.memref_slice %arg2[%dma_start3A_25, %dma_start3A_26] : memref<10000x128xf32, #tpu.memory_space<hbm>> -> memref<16x128xf32, #tpu.memory_space<hbm>>
        tpu.enqueue_dma source(%dma_start3A_27 : memref<16x128xf32, #tpu.memory_space<hbm>>) target(%dma_start3A_24 : memref<16x128xf32, #tpu.memory_space<vmem_shared>>) target_semaphore(%run_scoped3A : memref<!tpu.dma_semaphore, #tpu.memory_space<semaphore_mem>>)
        %dma_wait3A = arith.constant 9984 : i32
        %dma_wait3A_28 = arith.constant 0 : i32
        %dma_wait3A_29 = tpu.memref_slice %arg9[%dma_wait3A, %dma_wait3A_28] : memref<10000x128xf32, #tpu.memory_space<vmem_shared>> -> memref<16x128xf32, #tpu.memory_space<vmem_shared>>
        %dma_wait3A_30 = arith.constant 9984 : i32
        %dma_wait3A_31 = arith.constant 0 : i32
        %dma_wait3A_32 = tpu.memref_slice %arg2[%dma_wait3A_30, %dma_wait3A_31] : memref<10000x128xf32, #tpu.memory_space<hbm>> -> memref<16x128xf32, #tpu.memory_space<hbm>>
        tpu.wait_dma2 semaphore(%run_scoped3A : memref<!tpu.dma_semaphore, #tpu.memory_space<semaphore_mem>>) src(%dma_wait3A_32 : memref<16x128xf32, #tpu.memory_space<hbm>>) dst(%dma_wait3A_29 : memref<16x128xf32, #tpu.memory_space<vmem_shared>>)
        tpu.yield
      }) : () -> ()
    } else {
    }
    "tpu.region"() ({
      %run_scoped3A = tpu.sem_alloc : memref<!tpu.dma_semaphore, #tpu.memory_space<semaphore_mem>>
      %dma_start3A_22 = arith.constant 0 : i32
      %dma_start3A_23 = arith.constant 0 : i32
      %dma_start3A_24 = tpu.memref_slice %arg2[%dma_start3A_22, %dma_start3A_23] : memref<10000x128xf32, #tpu.memory_space<hbm>> -> memref<128x128xf32, #tpu.memory_space<hbm>>
      %dma_start3A_25 = arith.constant 0 : i32
      %dma_start3A_26 = arith.constant 0 : i32
      %dma_start3A_27 = tpu.memref_slice %arg2[%dma_start3A_25, %dma_start3A_26] : memref<10000x128xf32, #tpu.memory_space<hbm>> -> memref<128x128xf32, #tpu.memory_space<hbm>>
      tpu.enqueue_dma source(%dma_start3A_27 : memref<128x128xf32, #tpu.memory_space<hbm>>) target(%arg8 : memref<128x128xf32, #tpu.memory_space<vmem>>) target_semaphore(%run_scoped3A : memref<!tpu.dma_semaphore, #tpu.memory_space<semaphore_mem>>)
      %dma_wait3A = arith.constant 0 : i32
      %dma_wait3A_28 = arith.constant 0 : i32
      %dma_wait3A_29 = tpu.memref_slice %arg2[%dma_wait3A, %dma_wait3A_28] : memref<10000x128xf32, #tpu.memory_space<hbm>> -> memref<128x128xf32, #tpu.memory_space<hbm>>
      %dma_wait3A_30 = arith.constant 0 : i32
      %dma_wait3A_31 = arith.constant 0 : i32
      %dma_wait3A_32 = tpu.memref_slice %arg2[%dma_wait3A_30, %dma_wait3A_31] : memref<10000x128xf32, #tpu.memory_space<hbm>> -> memref<128x128xf32, #tpu.memory_space<hbm>>
      tpu.wait_dma2 semaphore(%run_scoped3A : memref<!tpu.dma_semaphore, #tpu.memory_space<semaphore_mem>>) src(%dma_wait3A_32 : memref<128x128xf32, #tpu.memory_space<hbm>>) dst(%arg8 : memref<128x128xf32, #tpu.memory_space<vmem>>)
      tpu.yield
    }) : () -> ()
    %barrier3A = arith.constant 0 : index
    tpu.barrier barrier_id(%barrier3A)
    %add3A_7 = arith.constant 0 : i32
    %add3A_8 = arith.addi %mul3A_4, %add3A_7 : i32
    %dma_start3A = tpu.memref_slice %arg3[%add3A_8] : memref<320000xi32, #tpu.memory_space<hbm>> -> memref<128xi32, #tpu.memory_space<hbm>>
    %dma_start3A_9 = tpu.memref_slice %arg3[%add3A_8] : memref<320000xi32, #tpu.memory_space<hbm>> -> memref<128xi32, #tpu.memory_space<hbm>>
    tpu.enqueue_dma source(%dma_start3A_9 : memref<128xi32, #tpu.memory_space<hbm>>) target(%arg5 : memref<128xi32, #tpu.memory_space<vmem>>) target_semaphore(%arg10 : memref<!tpu.dma_semaphore, #tpu.memory_space<semaphore_mem>>)
    %scan3A = arith.constant 0 : i32
    %scan3A_10 = arith.constant 39 : i32
    %scan3A_11 = arith.addi %scan3A, %scan3A_10 : i32
    %scan3A_12 = arith.constant 1 : i32
    scf.for %scan3A_22 = %scan3A to %scan3A_11 step %scan3A_12  : i32 {
      %mul3A_23 = arith.constant 1 : i32
      %mul3A_24 = arith.muli %scan3A_22, %mul3A_23 : i32
      %add3A_25 = arith.constant 0 : i32
      %add3A_26 = arith.addi %add3A_25, %mul3A_24 : i32
      %mul3A_27 = arith.constant 2 : i32
      %mul3A_28 = arith.muli %mul3A_27, %add3A_26 : i32
      %mul3A_29 = arith.constant 128 : i32
      %mul3A_30 = arith.muli %mul3A_28, %mul3A_29 : i32
      %add3A_31 = arith.addi %mul3A_4, %mul3A_30 : i32
      %dma_wait3A = tpu.memref_slice %arg3[%add3A_31] : memref<320000xi32, #tpu.memory_space<hbm>> -> memref<128xi32, #tpu.memory_space<hbm>>
      %dma_wait3A_32 = tpu.memref_slice %arg3[%add3A_31] : memref<320000xi32, #tpu.memory_space<hbm>> -> memref<128xi32, #tpu.memory_space<hbm>>
      tpu.wait_dma2 semaphore(%arg10 : memref<!tpu.dma_semaphore, #tpu.memory_space<semaphore_mem>>) src(%dma_wait3A_32 : memref<128xi32, #tpu.memory_space<hbm>>) dst(%arg5 : memref<128xi32, #tpu.memory_space<vmem>>)
      %add3A_33 = arith.constant 1 : i32
      %add3A_34 = arith.addi %mul3A_28, %add3A_33 : i32
      %mul3A_35 = arith.constant 128 : i32
      %mul3A_36 = arith.muli %add3A_34, %mul3A_35 : i32
      %add3A_37 = arith.addi %mul3A_4, %mul3A_36 : i32
      %dma_start3A_38 = tpu.memref_slice %arg3[%add3A_37] : memref<320000xi32, #tpu.memory_space<hbm>> -> memref<128xi32, #tpu.memory_space<hbm>>
      %dma_start3A_39 = tpu.memref_slice %arg3[%add3A_37] : memref<320000xi32, #tpu.memory_space<hbm>> -> memref<128xi32, #tpu.memory_space<hbm>>
      tpu.enqueue_dma source(%dma_start3A_39 : memref<128xi32, #tpu.memory_space<hbm>>) target(%arg6 : memref<128xi32, #tpu.memory_space<vmem>>) target_semaphore(%arg11 : memref<!tpu.dma_semaphore, #tpu.memory_space<semaphore_mem>>)
      "tpu.region"() ({
        %run_scoped3A = tpu.sem_alloc : memref<!tpu.dma_semaphore, #tpu.memory_space<semaphore_mem>>
        %dma_start3A_51 = arith.constant 0 : i32
        %dma_start3A_52 = arith.constant 0 : i32
        %dma_start3A_53 = tpu.memref_slice %arg9[%dma_start3A_51, %dma_start3A_52] : memref<10000x128xf32, #tpu.memory_space<vmem_shared>> -> memref<10000x128xf32, #tpu.memory_space<vmem_shared>>
        tpu.enqueue_indirect_dma source(%arg8 : memref<128x128xf32, #tpu.memory_space<vmem>>) target(%dma_start3A_53 : memref<10000x128xf32, #tpu.memory_space<vmem_shared>>) offsets(%arg5 : memref<128xi32, #tpu.memory_space<vmem>>) semaphore(%run_scoped3A : memref<!tpu.dma_semaphore, #tpu.memory_space<semaphore_mem>>) {add = true}
        %dma_wait3A_54 = arith.constant 0 : i32
        %dma_wait3A_55 = arith.constant 0 : i32
        %dma_wait3A_56 = tpu.memref_slice %arg9[%dma_wait3A_54, %dma_wait3A_55] : memref<10000x128xf32, #tpu.memory_space<vmem_shared>> -> memref<10000x128xf32, #tpu.memory_space<vmem_shared>>
        tpu.wait_indirect_dma semaphore(%run_scoped3A : memref<!tpu.dma_semaphore, #tpu.memory_space<semaphore_mem>>) src(%arg8 : memref<128x128xf32, #tpu.memory_space<vmem>>) dst(%dma_wait3A_56 : memref<10000x128xf32, #tpu.memory_space<vmem_shared>>)
        tpu.yield
      }) : () -> ()
      %add3A_40 = arith.constant 1 : i32
      %add3A_41 = arith.addi %mul3A_28, %add3A_40 : i32
      %mul3A_42 = arith.constant 128 : i32
      %mul3A_43 = arith.muli %add3A_41, %mul3A_42 : i32
      %add3A_44 = arith.addi %mul3A_4, %mul3A_43 : i32
      %dma_wait3A_45 = tpu.memref_slice %arg3[%add3A_44] : memref<320000xi32, #tpu.memory_space<hbm>> -> memref<128xi32, #tpu.memory_space<hbm>>
      %dma_wait3A_46 = tpu.memref_slice %arg3[%add3A_44] : memref<320000xi32, #tpu.memory_space<hbm>> -> memref<128xi32, #tpu.memory_space<hbm>>
      tpu.wait_dma2 semaphore(%arg11 : memref<!tpu.dma_semaphore, #tpu.memory_space<semaphore_mem>>) src(%dma_wait3A_46 : memref<128xi32, #tpu.memory_space<hbm>>) dst(%arg6 : memref<128xi32, #tpu.memory_space<vmem>>)
      %lt3A = arith.constant 38 : i32
      %lt3A_47 = arith.cmpi slt, %add3A_26, %lt3A : i32
      %convert_element_type3A_48 = arith.extui %lt3A_47 : i1 to i32
      %cond3A_49 = arith.constant 0 : i32
      %cond3A_50 = arith.cmpi ne, %convert_element_type3A_48, %cond3A_49 : i32
      scf.if %cond3A_50 {
        %add3A_51 = arith.constant 2 : i32
        %add3A_52 = arith.addi %mul3A_28, %add3A_51 : i32
        %mul3A_53 = arith.constant 128 : i32
        %mul3A_54 = arith.muli %add3A_52, %mul3A_53 : i32
        %add3A_55 = arith.addi %mul3A_4, %mul3A_54 : i32
        %dma_start3A_56 = tpu.memref_slice %arg3[%add3A_55] : memref<320000xi32, #tpu.memory_space<hbm>> -> memref<128xi32, #tpu.memory_space<hbm>>
        %dma_start3A_57 = tpu.memref_slice %arg3[%add3A_55] : memref<320000xi32, #tpu.memory_space<hbm>> -> memref<128xi32, #tpu.memory_space<hbm>>
        tpu.enqueue_dma source(%dma_start3A_57 : memref<128xi32, #tpu.memory_space<hbm>>) target(%arg5 : memref<128xi32, #tpu.memory_space<vmem>>) target_semaphore(%arg10 : memref<!tpu.dma_semaphore, #tpu.memory_space<semaphore_mem>>)
      } else {
      }
      "tpu.region"() ({
        %run_scoped3A = tpu.sem_alloc : memref<!tpu.dma_semaphore, #tpu.memory_space<semaphore_mem>>
        %dma_start3A_51 = arith.constant 0 : i32
        %dma_start3A_52 = arith.constant 0 : i32
        %dma_start3A_53 = tpu.memref_slice %arg9[%dma_start3A_51, %dma_start3A_52] : memref<10000x128xf32, #tpu.memory_space<vmem_shared>> -> memref<10000x128xf32, #tpu.memory_space<vmem_shared>>
        tpu.enqueue_indirect_dma source(%arg8 : memref<128x128xf32, #tpu.memory_space<vmem>>) target(%dma_start3A_53 : memref<10000x128xf32, #tpu.memory_space<vmem_shared>>) offsets(%arg6 : memref<128xi32, #tpu.memory_space<vmem>>) semaphore(%run_scoped3A : memref<!tpu.dma_semaphore, #tpu.memory_space<semaphore_mem>>) {add = true}
        %dma_wait3A_54 = arith.constant 0 : i32
        %dma_wait3A_55 = arith.constant 0 : i32
        %dma_wait3A_56 = tpu.memref_slice %arg9[%dma_wait3A_54, %dma_wait3A_55] : memref<10000x128xf32, #tpu.memory_space<vmem_shared>> -> memref<10000x128xf32, #tpu.memory_space<vmem_shared>>
        tpu.wait_indirect_dma semaphore(%run_scoped3A : memref<!tpu.dma_semaphore, #tpu.memory_space<semaphore_mem>>) src(%arg8 : memref<128x128xf32, #tpu.memory_space<vmem>>) dst(%dma_wait3A_56 : memref<10000x128xf32, #tpu.memory_space<vmem_shared>>)
        tpu.yield
      }) : () -> ()
    }
    %scan3A_13 = arith.constant 39 : i32
    %add3A_14 = arith.constant 9984 : i32
    %add3A_15 = arith.addi %mul3A_4, %add3A_14 : i32
    "tpu.region"() ({
      %run_scoped3A = tpu.sem_alloc : memref<!tpu.dma_semaphore, #tpu.memory_space<semaphore_mem>>
      %dma_start3A_22 = tpu.memref_slice %arg3[%add3A_15] : memref<320000xi32, #tpu.memory_space<hbm>> -> memref<16xi32, #tpu.memory_space<hbm>>
      %dma_start3A_23 = tpu.memref_slice %arg3[%add3A_15] : memref<320000xi32, #tpu.memory_space<hbm>> -> memref<16xi32, #tpu.memory_space<hbm>>
      tpu.enqueue_dma source(%dma_start3A_23 : memref<16xi32, #tpu.memory_space<hbm>>) target(%arg7 : memref<16xi32, #tpu.memory_space<vmem>>) target_semaphore(%run_scoped3A : memref<!tpu.dma_semaphore, #tpu.memory_space<semaphore_mem>>)
      %dma_wait3A = tpu.memref_slice %arg3[%add3A_15] : memref<320000xi32, #tpu.memory_space<hbm>> -> memref<16xi32, #tpu.memory_space<hbm>>
      %dma_wait3A_24 = tpu.memref_slice %arg3[%add3A_15] : memref<320000xi32, #tpu.memory_space<hbm>> -> memref<16xi32, #tpu.memory_space<hbm>>
      tpu.wait_dma2 semaphore(%run_scoped3A : memref<!tpu.dma_semaphore, #tpu.memory_space<semaphore_mem>>) src(%dma_wait3A_24 : memref<16xi32, #tpu.memory_space<hbm>>) dst(%arg7 : memref<16xi32, #tpu.memory_space<vmem>>)
      tpu.yield
    }) : () -> ()
    "tpu.region"() ({
      %run_scoped3A = tpu.sem_alloc : memref<!tpu.dma_semaphore, #tpu.memory_space<semaphore_mem>>
      %dma_start3A_22 = arith.constant 0 : i32
      %dma_start3A_23 = arith.constant 0 : i32
      %dma_start3A_24 = tpu.memref_slice %arg8[%dma_start3A_22, %dma_start3A_23] : memref<128x128xf32, #tpu.memory_space<vmem>> -> memref<16x128xf32, #tpu.memory_space<vmem>>
      %dma_start3A_25 = arith.constant 0 : i32
      %dma_start3A_26 = arith.constant 0 : i32
      %dma_start3A_27 = tpu.memref_slice %arg9[%dma_start3A_25, %dma_start3A_26] : memref<10000x128xf32, #tpu.memory_space<vmem_shared>> -> memref<10000x128xf32, #tpu.memory_space<vmem_shared>>
      tpu.enqueue_indirect_dma source(%dma_start3A_24 : memref<16x128xf32, #tpu.memory_space<vmem>>) target(%dma_start3A_27 : memref<10000x128xf32, #tpu.memory_space<vmem_shared>>) offsets(%arg7 : memref<16xi32, #tpu.memory_space<vmem>>) semaphore(%run_scoped3A : memref<!tpu.dma_semaphore, #tpu.memory_space<semaphore_mem>>) {add = true}
      %dma_wait3A = arith.constant 0 : i32
      %dma_wait3A_28 = arith.constant 0 : i32
      %dma_wait3A_29 = tpu.memref_slice %arg8[%dma_wait3A, %dma_wait3A_28] : memref<128x128xf32, #tpu.memory_space<vmem>> -> memref<16x128xf32, #tpu.memory_space<vmem>>
      %dma_wait3A_30 = arith.constant 0 : i32
      %dma_wait3A_31 = arith.constant 0 : i32
      %dma_wait3A_32 = tpu.memref_slice %arg9[%dma_wait3A_30, %dma_wait3A_31] : memref<10000x128xf32, #tpu.memory_space<vmem_shared>> -> memref<10000x128xf32, #tpu.memory_space<vmem_shared>>
      tpu.wait_indirect_dma semaphore(%run_scoped3A : memref<!tpu.dma_semaphore, #tpu.memory_space<semaphore_mem>>) src(%dma_wait3A_29 : memref<16x128xf32, #tpu.memory_space<vmem>>) dst(%dma_wait3A_32 : memref<10000x128xf32, #tpu.memory_space<vmem_shared>>)
      tpu.yield
    }) : () -> ()
    %barrier3A_16 = arith.constant 0 : index
    tpu.barrier barrier_id(%barrier3A_16)
    "tpu.region"() ({
      %run_scoped3A = tpu.sem_alloc : memref<!tpu.dma_semaphore, #tpu.memory_space<semaphore_mem>>
      %dma_start3A_22 = arith.constant 0 : i32
      %dma_start3A_23 = tpu.memref_slice %arg4[%arg0, %mul3A_2, %dma_start3A_22] : memref<2x10000x128xf32, #tpu.memory_space<hbm>> -> memref<1x624x128xf32, #tpu.memory_space<hbm>>
      %dma_start3A_24 = tpu.memref_squeeze %dma_start3A_23 : memref<1x624x128xf32, #tpu.memory_space<hbm>> -> memref<624x128xf32, #tpu.memory_space<hbm>>
      %dma_start3A_25 = arith.constant 0 : i32
      %dma_start3A_26 = tpu.memref_slice %arg9[%mul3A_2, %dma_start3A_25] : memref<10000x128xf32, #tpu.memory_space<vmem_shared>> -> memref<624x128xf32, #tpu.memory_space<vmem_shared>>
      tpu.enqueue_dma source(%dma_start3A_26 : memref<624x128xf32, #tpu.memory_space<vmem_shared>>) target(%dma_start3A_24 : memref<624x128xf32, #tpu.memory_space<hbm>>) target_semaphore(%run_scoped3A : memref<!tpu.dma_semaphore, #tpu.memory_space<semaphore_mem>>)
      %dma_wait3A = arith.constant 0 : i32
      %dma_wait3A_27 = tpu.memref_slice %arg4[%arg0, %mul3A_2, %dma_wait3A] : memref<2x10000x128xf32, #tpu.memory_space<hbm>> -> memref<1x624x128xf32, #tpu.memory_space<hbm>>
      %dma_wait3A_28 = tpu.memref_squeeze %dma_wait3A_27 : memref<1x624x128xf32, #tpu.memory_space<hbm>> -> memref<624x128xf32, #tpu.memory_space<hbm>>
      %dma_wait3A_29 = arith.constant 0 : i32
      %dma_wait3A_30 = tpu.memref_slice %arg9[%mul3A_2, %dma_wait3A_29] : memref<10000x128xf32, #tpu.memory_space<vmem_shared>> -> memref<624x128xf32, #tpu.memory_space<vmem_shared>>
      tpu.wait_dma2 semaphore(%run_scoped3A : memref<!tpu.dma_semaphore, #tpu.memory_space<semaphore_mem>>) src(%dma_wait3A_30 : memref<624x128xf32, #tpu.memory_space<vmem_shared>>) dst(%dma_wait3A_28 : memref<624x128xf32, #tpu.memory_space<hbm>>)
      tpu.yield
    }) : () -> ()
    %eq3A_17 = arith.constant 15 : i32
    %eq3A_18 = arith.cmpi eq, %arg1, %eq3A_17 : i32
    %convert_element_type3A_19 = arith.extui %eq3A_18 : i1 to i32
    %cond3A_20 = arith.constant 0 : i32
    %cond3A_21 = arith.cmpi ne, %convert_element_type3A_19, %cond3A_20 : i32
    scf.if %cond3A_21 {
      "tpu.region"() ({
        %run_scoped3A = tpu.sem_alloc : memref<!tpu.dma_semaphore, #tpu.memory_space<semaphore_mem>>
        %dma_start3A_22 = arith.constant 9984 : i32
        %dma_start3A_23 = arith.constant 0 : i32
        %dma_start3A_24 = tpu.memref_slice %arg4[%arg0, %dma_start3A_22, %dma_start3A_23] : memref<2x10000x128xf32, #tpu.memory_space<hbm>> -> memref<1x16x128xf32, #tpu.memory_space<hbm>>
        %dma_start3A_25 = tpu.memref_squeeze %dma_start3A_24 : memref<1x16x128xf32, #tpu.memory_space<hbm>> -> memref<16x128xf32, #tpu.memory_space<hbm>>
        %dma_start3A_26 = arith.constant 9984 : i32
        %dma_start3A_27 = arith.constant 0 : i32
        %dma_start3A_28 = tpu.memref_slice %arg9[%dma_start3A_26, %dma_start3A_27] : memref<10000x128xf32, #tpu.memory_space<vmem_shared>> -> memref<16x128xf32, #tpu.memory_space<vmem_shared>>
        tpu.enqueue_dma source(%dma_start3A_28 : memref<16x128xf32, #tpu.memory_space<vmem_shared>>) target(%dma_start3A_25 : memref<16x128xf32, #tpu.memory_space<hbm>>) target_semaphore(%run_scoped3A : memref<!tpu.dma_semaphore, #tpu.memory_space<semaphore_mem>>)
        %dma_wait3A = arith.constant 9984 : i32
        %dma_wait3A_29 = arith.constant 0 : i32
        %dma_wait3A_30 = tpu.memref_slice %arg4[%arg0, %dma_wait3A, %dma_wait3A_29] : memref<2x10000x128xf32, #tpu.memory_space<hbm>> -> memref<1x16x128xf32, #tpu.memory_space<hbm>>
        %dma_wait3A_31 = tpu.memref_squeeze %dma_wait3A_30 : memref<1x16x128xf32, #tpu.memory_space<hbm>> -> memref<16x128xf32, #tpu.memory_space<hbm>>
        %dma_wait3A_32 = arith.constant 9984 : i32
        %dma_wait3A_33 = arith.constant 0 : i32
        %dma_wait3A_34 = tpu.memref_slice %arg9[%dma_wait3A_32, %dma_wait3A_33] : memref<10000x128xf32, #tpu.memory_space<vmem_shared>> -> memref<16x128xf32, #tpu.memory_space<vmem_shared>>
        tpu.wait_dma2 semaphore(%run_scoped3A : memref<!tpu.dma_semaphore, #tpu.memory_space<semaphore_mem>>) src(%dma_wait3A_34 : memref<16x128xf32, #tpu.memory_space<vmem_shared>>) dst(%dma_wait3A_31 : memref<16x128xf32, #tpu.memory_space<hbm>>)
        tpu.yield
      }) : () -> ()
    } else {
    }
    return
  }
}

#map = affine_map<(d0, d1) -> (0, 0)>
#map1 = affine_map<(d0, d1) -> (0)>
#map2 = affine_map<(d0, d1) -> (0, 0, 0)>
module attributes {stable_mosaic.version = 14 : i64} {
  func.func @_agg_kernel(%arg0: i32, %arg1: i32, %arg2: memref<10000x128xf32, #tpu.memory_space<hbm>>, %arg3: memref<320000xi32, #tpu.memory_space<hbm>>, %arg4: memref<320000xi32, #tpu.memory_space<hbm>>, %arg5: memref<2x10000x128xf32, #tpu.memory_space<hbm>>, %arg6: memref<10000xi32, #tpu.memory_space<vmem>>, %arg7: memref<128xi32, #tpu.memory_space<vmem>>, %arg8: memref<128xi32, #tpu.memory_space<vmem>>, %arg9: memref<16xi32, #tpu.memory_space<vmem>>, %arg10: memref<128x128xf32, #tpu.memory_space<vmem>>, %arg11: memref<128x128xf32, #tpu.memory_space<vmem>>, %arg12: memref<16x128xf32, #tpu.memory_space<vmem>>, %arg13: memref<10000x128xf32, #tpu.memory_space<vmem_shared>>, %arg14: memref<!tpu.dma_semaphore, #tpu.memory_space<semaphore_mem>>, %arg15: memref<!tpu.dma_semaphore, #tpu.memory_space<semaphore_mem>>, %arg16: memref<!tpu.dma_semaphore, #tpu.memory_space<semaphore_mem>>, %arg17: memref<!tpu.dma_semaphore, #tpu.memory_space<semaphore_mem>>) attributes {dimension_semantics = [#tpu.dimension_semantics<core_parallel>, #tpu.dimension_semantics<subcore_parallel>], iteration_bounds = array<i64: 2, 16>, scalar_prefetch = 0 : i64, scratch_operands = 12 : i64, tpu.core_type = #tpu.core_type<sc_vector_subcore>, window_params = [{transform_indices = #map}, {transform_indices = #map1}, {transform_indices = #map1}, {transform_indices = #map2}]} {
    %mul3A = arith.constant 16 : i32
    %mul3A_0 = arith.muli %arg0, %mul3A : i32
    %add3A = arith.addi %mul3A_0, %arg1 : i32
    %mul3A_1 = arith.constant 624 : i32
    %mul3A_2 = arith.muli %arg1, %mul3A_1 : i32
    %mul3A_3 = arith.constant 10000 : i32
    %mul3A_4 = arith.muli %add3A, %mul3A_3 : i32
    "tpu.region"() ({
      %run_scoped3A = tpu.sem_alloc : memref<!tpu.dma_semaphore, #tpu.memory_space<semaphore_mem>>
      %dma_start3A_27 = arith.constant 0 : i32
      %dma_start3A_28 = tpu.memref_slice %arg13[%mul3A_2, %dma_start3A_27] : memref<10000x128xf32, #tpu.memory_space<vmem_shared>> -> memref<624x128xf32, #tpu.memory_space<vmem_shared>>
      %dma_start3A_29 = arith.constant 0 : i32
      %dma_start3A_30 = tpu.memref_slice %arg2[%mul3A_2, %dma_start3A_29] : memref<10000x128xf32, #tpu.memory_space<hbm>> -> memref<624x128xf32, #tpu.memory_space<hbm>>
      tpu.enqueue_dma source(%dma_start3A_30 : memref<624x128xf32, #tpu.memory_space<hbm>>) target(%dma_start3A_28 : memref<624x128xf32, #tpu.memory_space<vmem_shared>>) target_semaphore(%run_scoped3A : memref<!tpu.dma_semaphore, #tpu.memory_space<semaphore_mem>>)
      %dma_wait3A = arith.constant 0 : i32
      %dma_wait3A_31 = tpu.memref_slice %arg13[%mul3A_2, %dma_wait3A] : memref<10000x128xf32, #tpu.memory_space<vmem_shared>> -> memref<624x128xf32, #tpu.memory_space<vmem_shared>>
      %dma_wait3A_32 = arith.constant 0 : i32
      %dma_wait3A_33 = tpu.memref_slice %arg2[%mul3A_2, %dma_wait3A_32] : memref<10000x128xf32, #tpu.memory_space<hbm>> -> memref<624x128xf32, #tpu.memory_space<hbm>>
      tpu.wait_dma2 semaphore(%run_scoped3A : memref<!tpu.dma_semaphore, #tpu.memory_space<semaphore_mem>>) src(%dma_wait3A_33 : memref<624x128xf32, #tpu.memory_space<hbm>>) dst(%dma_wait3A_31 : memref<624x128xf32, #tpu.memory_space<vmem_shared>>)
      tpu.yield
    }) : () -> ()
    %eq3A = arith.constant 15 : i32
    %eq3A_5 = arith.cmpi eq, %arg1, %eq3A : i32
    %convert_element_type3A = arith.extui %eq3A_5 : i1 to i32
    %cond3A = arith.constant 0 : i32
    %cond3A_6 = arith.cmpi ne, %convert_element_type3A, %cond3A : i32
    scf.if %cond3A_6 {
      "tpu.region"() ({
        %run_scoped3A = tpu.sem_alloc : memref<!tpu.dma_semaphore, #tpu.memory_space<semaphore_mem>>
        %dma_start3A_27 = arith.constant 9984 : i32
        %dma_start3A_28 = arith.constant 0 : i32
        %dma_start3A_29 = tpu.memref_slice %arg13[%dma_start3A_27, %dma_start3A_28] : memref<10000x128xf32, #tpu.memory_space<vmem_shared>> -> memref<16x128xf32, #tpu.memory_space<vmem_shared>>
        %dma_start3A_30 = arith.constant 9984 : i32
        %dma_start3A_31 = arith.constant 0 : i32
        %dma_start3A_32 = tpu.memref_slice %arg2[%dma_start3A_30, %dma_start3A_31] : memref<10000x128xf32, #tpu.memory_space<hbm>> -> memref<16x128xf32, #tpu.memory_space<hbm>>
        tpu.enqueue_dma source(%dma_start3A_32 : memref<16x128xf32, #tpu.memory_space<hbm>>) target(%dma_start3A_29 : memref<16x128xf32, #tpu.memory_space<vmem_shared>>) target_semaphore(%run_scoped3A : memref<!tpu.dma_semaphore, #tpu.memory_space<semaphore_mem>>)
        %dma_wait3A = arith.constant 9984 : i32
        %dma_wait3A_33 = arith.constant 0 : i32
        %dma_wait3A_34 = tpu.memref_slice %arg13[%dma_wait3A, %dma_wait3A_33] : memref<10000x128xf32, #tpu.memory_space<vmem_shared>> -> memref<16x128xf32, #tpu.memory_space<vmem_shared>>
        %dma_wait3A_35 = arith.constant 9984 : i32
        %dma_wait3A_36 = arith.constant 0 : i32
        %dma_wait3A_37 = tpu.memref_slice %arg2[%dma_wait3A_35, %dma_wait3A_36] : memref<10000x128xf32, #tpu.memory_space<hbm>> -> memref<16x128xf32, #tpu.memory_space<hbm>>
        tpu.wait_dma2 semaphore(%run_scoped3A : memref<!tpu.dma_semaphore, #tpu.memory_space<semaphore_mem>>) src(%dma_wait3A_37 : memref<16x128xf32, #tpu.memory_space<hbm>>) dst(%dma_wait3A_34 : memref<16x128xf32, #tpu.memory_space<vmem_shared>>)
        tpu.yield
      }) : () -> ()
    } else {
    }
    "tpu.region"() ({
      %run_scoped3A = tpu.sem_alloc : memref<!tpu.dma_semaphore, #tpu.memory_space<semaphore_mem>>
      %dma_start3A_27 = tpu.memref_slice %arg3[%mul3A_4] : memref<320000xi32, #tpu.memory_space<hbm>> -> memref<10000xi32, #tpu.memory_space<hbm>>
      %dma_start3A_28 = tpu.memref_slice %arg3[%mul3A_4] : memref<320000xi32, #tpu.memory_space<hbm>> -> memref<10000xi32, #tpu.memory_space<hbm>>
      tpu.enqueue_dma source(%dma_start3A_28 : memref<10000xi32, #tpu.memory_space<hbm>>) target(%arg6 : memref<10000xi32, #tpu.memory_space<vmem>>) target_semaphore(%run_scoped3A : memref<!tpu.dma_semaphore, #tpu.memory_space<semaphore_mem>>)
      %dma_wait3A = tpu.memref_slice %arg3[%mul3A_4] : memref<320000xi32, #tpu.memory_space<hbm>> -> memref<10000xi32, #tpu.memory_space<hbm>>
      %dma_wait3A_29 = tpu.memref_slice %arg3[%mul3A_4] : memref<320000xi32, #tpu.memory_space<hbm>> -> memref<10000xi32, #tpu.memory_space<hbm>>
      tpu.wait_dma2 semaphore(%run_scoped3A : memref<!tpu.dma_semaphore, #tpu.memory_space<semaphore_mem>>) src(%dma_wait3A_29 : memref<10000xi32, #tpu.memory_space<hbm>>) dst(%arg6 : memref<10000xi32, #tpu.memory_space<vmem>>)
      tpu.yield
    }) : () -> ()
    %barrier3A = arith.constant 0 : index
    tpu.barrier barrier_id(%barrier3A)
    %add3A_7 = arith.constant 0 : i32
    %add3A_8 = arith.addi %mul3A_4, %add3A_7 : i32
    %dma_start3A = tpu.memref_slice %arg4[%add3A_8] : memref<320000xi32, #tpu.memory_space<hbm>> -> memref<128xi32, #tpu.memory_space<hbm>>
    %dma_start3A_9 = tpu.memref_slice %arg4[%add3A_8] : memref<320000xi32, #tpu.memory_space<hbm>> -> memref<128xi32, #tpu.memory_space<hbm>>
    tpu.enqueue_dma source(%dma_start3A_9 : memref<128xi32, #tpu.memory_space<hbm>>) target(%arg7 : memref<128xi32, #tpu.memory_space<vmem>>) target_semaphore(%arg14 : memref<!tpu.dma_semaphore, #tpu.memory_space<semaphore_mem>>)
    %dma_start3A_10 = arith.constant 0 : i32
    %dma_start3A_11 = tpu.memref_slice %arg6[%dma_start3A_10] : memref<10000xi32, #tpu.memory_space<vmem>> -> memref<128xi32, #tpu.memory_space<vmem>>
    %dma_start3A_12 = arith.constant 0 : i32
    %dma_start3A_13 = arith.constant 0 : i32
    %dma_start3A_14 = tpu.memref_slice %arg2[%dma_start3A_12, %dma_start3A_13] : memref<10000x128xf32, #tpu.memory_space<hbm>> -> memref<10000x128xf32, #tpu.memory_space<hbm>>
    tpu.enqueue_indirect_dma source(%dma_start3A_14 : memref<10000x128xf32, #tpu.memory_space<hbm>>) target(%arg10 : memref<128x128xf32, #tpu.memory_space<vmem>>) offsets(%dma_start3A_11 : memref<128xi32, #tpu.memory_space<vmem>>) semaphore(%arg16 : memref<!tpu.dma_semaphore, #tpu.memory_space<semaphore_mem>>)
    %scan3A = arith.constant 0 : i32
    %scan3A_15 = arith.constant 39 : i32
    %scan3A_16 = arith.addi %scan3A, %scan3A_15 : i32
    %scan3A_17 = arith.constant 1 : i32
    scf.for %scan3A_27 = %scan3A to %scan3A_16 step %scan3A_17  : i32 {
      %mul3A_28 = arith.constant 1 : i32
      %mul3A_29 = arith.muli %scan3A_27, %mul3A_28 : i32
      %add3A_30 = arith.constant 0 : i32
      %add3A_31 = arith.addi %add3A_30, %mul3A_29 : i32
      %mul3A_32 = arith.constant 2 : i32
      %mul3A_33 = arith.muli %mul3A_32, %add3A_31 : i32
      %mul3A_34 = arith.constant 128 : i32
      %mul3A_35 = arith.muli %mul3A_33, %mul3A_34 : i32
      %add3A_36 = arith.addi %mul3A_4, %mul3A_35 : i32
      %dma_wait3A = tpu.memref_slice %arg4[%add3A_36] : memref<320000xi32, #tpu.memory_space<hbm>> -> memref<128xi32, #tpu.memory_space<hbm>>
      %dma_wait3A_37 = tpu.memref_slice %arg4[%add3A_36] : memref<320000xi32, #tpu.memory_space<hbm>> -> memref<128xi32, #tpu.memory_space<hbm>>
      tpu.wait_dma2 semaphore(%arg14 : memref<!tpu.dma_semaphore, #tpu.memory_space<semaphore_mem>>) src(%dma_wait3A_37 : memref<128xi32, #tpu.memory_space<hbm>>) dst(%arg7 : memref<128xi32, #tpu.memory_space<vmem>>)
      %mul3A_38 = arith.constant 128 : i32
      %mul3A_39 = arith.muli %mul3A_33, %mul3A_38 : i32
      %dma_wait3A_40 = tpu.memref_slice %arg6[%mul3A_39] : memref<10000xi32, #tpu.memory_space<vmem>> -> memref<128xi32, #tpu.memory_space<vmem>>
      %dma_wait3A_41 = arith.constant 0 : i32
      %dma_wait3A_42 = arith.constant 0 : i32
      %dma_wait3A_43 = tpu.memref_slice %arg2[%dma_wait3A_41, %dma_wait3A_42] : memref<10000x128xf32, #tpu.memory_space<hbm>> -> memref<10000x128xf32, #tpu.memory_space<hbm>>
      tpu.wait_indirect_dma semaphore(%arg16 : memref<!tpu.dma_semaphore, #tpu.memory_space<semaphore_mem>>) src(%dma_wait3A_43 : memref<10000x128xf32, #tpu.memory_space<hbm>>) dst(%arg10 : memref<128x128xf32, #tpu.memory_space<vmem>>)
      %add3A_44 = arith.constant 1 : i32
      %add3A_45 = arith.addi %mul3A_33, %add3A_44 : i32
      %mul3A_46 = arith.constant 128 : i32
      %mul3A_47 = arith.muli %add3A_45, %mul3A_46 : i32
      %add3A_48 = arith.addi %mul3A_4, %mul3A_47 : i32
      %dma_start3A_49 = tpu.memref_slice %arg4[%add3A_48] : memref<320000xi32, #tpu.memory_space<hbm>> -> memref<128xi32, #tpu.memory_space<hbm>>
      %dma_start3A_50 = tpu.memref_slice %arg4[%add3A_48] : memref<320000xi32, #tpu.memory_space<hbm>> -> memref<128xi32, #tpu.memory_space<hbm>>
      tpu.enqueue_dma source(%dma_start3A_50 : memref<128xi32, #tpu.memory_space<hbm>>) target(%arg8 : memref<128xi32, #tpu.memory_space<vmem>>) target_semaphore(%arg15 : memref<!tpu.dma_semaphore, #tpu.memory_space<semaphore_mem>>)
      %add3A_51 = arith.constant 1 : i32
      %add3A_52 = arith.addi %mul3A_33, %add3A_51 : i32
      %mul3A_53 = arith.constant 128 : i32
      %mul3A_54 = arith.muli %add3A_52, %mul3A_53 : i32
      %dma_start3A_55 = tpu.memref_slice %arg6[%mul3A_54] : memref<10000xi32, #tpu.memory_space<vmem>> -> memref<128xi32, #tpu.memory_space<vmem>>
      %dma_start3A_56 = arith.constant 0 : i32
      %dma_start3A_57 = arith.constant 0 : i32
      %dma_start3A_58 = tpu.memref_slice %arg2[%dma_start3A_56, %dma_start3A_57] : memref<10000x128xf32, #tpu.memory_space<hbm>> -> memref<10000x128xf32, #tpu.memory_space<hbm>>
      tpu.enqueue_indirect_dma source(%dma_start3A_58 : memref<10000x128xf32, #tpu.memory_space<hbm>>) target(%arg11 : memref<128x128xf32, #tpu.memory_space<vmem>>) offsets(%dma_start3A_55 : memref<128xi32, #tpu.memory_space<vmem>>) semaphore(%arg17 : memref<!tpu.dma_semaphore, #tpu.memory_space<semaphore_mem>>)
      "tpu.region"() ({
        %run_scoped3A = tpu.sem_alloc : memref<!tpu.dma_semaphore, #tpu.memory_space<semaphore_mem>>
        %dma_start3A_78 = arith.constant 0 : i32
        %dma_start3A_79 = arith.constant 0 : i32
        %dma_start3A_80 = tpu.memref_slice %arg13[%dma_start3A_78, %dma_start3A_79] : memref<10000x128xf32, #tpu.memory_space<vmem_shared>> -> memref<10000x128xf32, #tpu.memory_space<vmem_shared>>
        tpu.enqueue_indirect_dma source(%arg10 : memref<128x128xf32, #tpu.memory_space<vmem>>) target(%dma_start3A_80 : memref<10000x128xf32, #tpu.memory_space<vmem_shared>>) offsets(%arg7 : memref<128xi32, #tpu.memory_space<vmem>>) semaphore(%run_scoped3A : memref<!tpu.dma_semaphore, #tpu.memory_space<semaphore_mem>>) {add = true}
        %dma_wait3A_81 = arith.constant 0 : i32
        %dma_wait3A_82 = arith.constant 0 : i32
        %dma_wait3A_83 = tpu.memref_slice %arg13[%dma_wait3A_81, %dma_wait3A_82] : memref<10000x128xf32, #tpu.memory_space<vmem_shared>> -> memref<10000x128xf32, #tpu.memory_space<vmem_shared>>
        tpu.wait_indirect_dma semaphore(%run_scoped3A : memref<!tpu.dma_semaphore, #tpu.memory_space<semaphore_mem>>) src(%arg10 : memref<128x128xf32, #tpu.memory_space<vmem>>) dst(%dma_wait3A_83 : memref<10000x128xf32, #tpu.memory_space<vmem_shared>>)
        tpu.yield
      }) : () -> ()
      %add3A_59 = arith.constant 1 : i32
      %add3A_60 = arith.addi %mul3A_33, %add3A_59 : i32
      %mul3A_61 = arith.constant 128 : i32
      %mul3A_62 = arith.muli %add3A_60, %mul3A_61 : i32
      %add3A_63 = arith.addi %mul3A_4, %mul3A_62 : i32
      %dma_wait3A_64 = tpu.memref_slice %arg4[%add3A_63] : memref<320000xi32, #tpu.memory_space<hbm>> -> memref<128xi32, #tpu.memory_space<hbm>>
      %dma_wait3A_65 = tpu.memref_slice %arg4[%add3A_63] : memref<320000xi32, #tpu.memory_space<hbm>> -> memref<128xi32, #tpu.memory_space<hbm>>
      tpu.wait_dma2 semaphore(%arg15 : memref<!tpu.dma_semaphore, #tpu.memory_space<semaphore_mem>>) src(%dma_wait3A_65 : memref<128xi32, #tpu.memory_space<hbm>>) dst(%arg8 : memref<128xi32, #tpu.memory_space<vmem>>)
      %add3A_66 = arith.constant 1 : i32
      %add3A_67 = arith.addi %mul3A_33, %add3A_66 : i32
      %mul3A_68 = arith.constant 128 : i32
      %mul3A_69 = arith.muli %add3A_67, %mul3A_68 : i32
      %dma_wait3A_70 = tpu.memref_slice %arg6[%mul3A_69] : memref<10000xi32, #tpu.memory_space<vmem>> -> memref<128xi32, #tpu.memory_space<vmem>>
      %dma_wait3A_71 = arith.constant 0 : i32
      %dma_wait3A_72 = arith.constant 0 : i32
      %dma_wait3A_73 = tpu.memref_slice %arg2[%dma_wait3A_71, %dma_wait3A_72] : memref<10000x128xf32, #tpu.memory_space<hbm>> -> memref<10000x128xf32, #tpu.memory_space<hbm>>
      tpu.wait_indirect_dma semaphore(%arg17 : memref<!tpu.dma_semaphore, #tpu.memory_space<semaphore_mem>>) src(%dma_wait3A_73 : memref<10000x128xf32, #tpu.memory_space<hbm>>) dst(%arg11 : memref<128x128xf32, #tpu.memory_space<vmem>>)
      %lt3A = arith.constant 38 : i32
      %lt3A_74 = arith.cmpi slt, %add3A_31, %lt3A : i32
      %convert_element_type3A_75 = arith.extui %lt3A_74 : i1 to i32
      %cond3A_76 = arith.constant 0 : i32
      %cond3A_77 = arith.cmpi ne, %convert_element_type3A_75, %cond3A_76 : i32
      scf.if %cond3A_77 {
        %add3A_78 = arith.constant 2 : i32
        %add3A_79 = arith.addi %mul3A_33, %add3A_78 : i32
        %mul3A_80 = arith.constant 128 : i32
        %mul3A_81 = arith.muli %add3A_79, %mul3A_80 : i32
        %add3A_82 = arith.addi %mul3A_4, %mul3A_81 : i32
        %dma_start3A_83 = tpu.memref_slice %arg4[%add3A_82] : memref<320000xi32, #tpu.memory_space<hbm>> -> memref<128xi32, #tpu.memory_space<hbm>>
        %dma_start3A_84 = tpu.memref_slice %arg4[%add3A_82] : memref<320000xi32, #tpu.memory_space<hbm>> -> memref<128xi32, #tpu.memory_space<hbm>>
        tpu.enqueue_dma source(%dma_start3A_84 : memref<128xi32, #tpu.memory_space<hbm>>) target(%arg7 : memref<128xi32, #tpu.memory_space<vmem>>) target_semaphore(%arg14 : memref<!tpu.dma_semaphore, #tpu.memory_space<semaphore_mem>>)
        %add3A_85 = arith.constant 2 : i32
        %add3A_86 = arith.addi %mul3A_33, %add3A_85 : i32
        %mul3A_87 = arith.constant 128 : i32
        %mul3A_88 = arith.muli %add3A_86, %mul3A_87 : i32
        %dma_start3A_89 = tpu.memref_slice %arg6[%mul3A_88] : memref<10000xi32, #tpu.memory_space<vmem>> -> memref<128xi32, #tpu.memory_space<vmem>>
        %dma_start3A_90 = arith.constant 0 : i32
        %dma_start3A_91 = arith.constant 0 : i32
        %dma_start3A_92 = tpu.memref_slice %arg2[%dma_start3A_90, %dma_start3A_91] : memref<10000x128xf32, #tpu.memory_space<hbm>> -> memref<10000x128xf32, #tpu.memory_space<hbm>>
        tpu.enqueue_indirect_dma source(%dma_start3A_92 : memref<10000x128xf32, #tpu.memory_space<hbm>>) target(%arg10 : memref<128x128xf32, #tpu.memory_space<vmem>>) offsets(%dma_start3A_89 : memref<128xi32, #tpu.memory_space<vmem>>) semaphore(%arg16 : memref<!tpu.dma_semaphore, #tpu.memory_space<semaphore_mem>>)
      } else {
      }
      "tpu.region"() ({
        %run_scoped3A = tpu.sem_alloc : memref<!tpu.dma_semaphore, #tpu.memory_space<semaphore_mem>>
        %dma_start3A_78 = arith.constant 0 : i32
        %dma_start3A_79 = arith.constant 0 : i32
        %dma_start3A_80 = tpu.memref_slice %arg13[%dma_start3A_78, %dma_start3A_79] : memref<10000x128xf32, #tpu.memory_space<vmem_shared>> -> memref<10000x128xf32, #tpu.memory_space<vmem_shared>>
        tpu.enqueue_indirect_dma source(%arg11 : memref<128x128xf32, #tpu.memory_space<vmem>>) target(%dma_start3A_80 : memref<10000x128xf32, #tpu.memory_space<vmem_shared>>) offsets(%arg8 : memref<128xi32, #tpu.memory_space<vmem>>) semaphore(%run_scoped3A : memref<!tpu.dma_semaphore, #tpu.memory_space<semaphore_mem>>) {add = true}
        %dma_wait3A_81 = arith.constant 0 : i32
        %dma_wait3A_82 = arith.constant 0 : i32
        %dma_wait3A_83 = tpu.memref_slice %arg13[%dma_wait3A_81, %dma_wait3A_82] : memref<10000x128xf32, #tpu.memory_space<vmem_shared>> -> memref<10000x128xf32, #tpu.memory_space<vmem_shared>>
        tpu.wait_indirect_dma semaphore(%run_scoped3A : memref<!tpu.dma_semaphore, #tpu.memory_space<semaphore_mem>>) src(%arg11 : memref<128x128xf32, #tpu.memory_space<vmem>>) dst(%dma_wait3A_83 : memref<10000x128xf32, #tpu.memory_space<vmem_shared>>)
        tpu.yield
      }) : () -> ()
    }
    %scan3A_18 = arith.constant 39 : i32
    %add3A_19 = arith.constant 9984 : i32
    %add3A_20 = arith.addi %mul3A_4, %add3A_19 : i32
    "tpu.region"() ({
      %run_scoped3A = tpu.sem_alloc : memref<!tpu.dma_semaphore, #tpu.memory_space<semaphore_mem>>
      %dma_start3A_27 = tpu.memref_slice %arg4[%add3A_20] : memref<320000xi32, #tpu.memory_space<hbm>> -> memref<16xi32, #tpu.memory_space<hbm>>
      %dma_start3A_28 = tpu.memref_slice %arg4[%add3A_20] : memref<320000xi32, #tpu.memory_space<hbm>> -> memref<16xi32, #tpu.memory_space<hbm>>
      tpu.enqueue_dma source(%dma_start3A_28 : memref<16xi32, #tpu.memory_space<hbm>>) target(%arg9 : memref<16xi32, #tpu.memory_space<vmem>>) target_semaphore(%run_scoped3A : memref<!tpu.dma_semaphore, #tpu.memory_space<semaphore_mem>>)
      %dma_wait3A = tpu.memref_slice %arg4[%add3A_20] : memref<320000xi32, #tpu.memory_space<hbm>> -> memref<16xi32, #tpu.memory_space<hbm>>
      %dma_wait3A_29 = tpu.memref_slice %arg4[%add3A_20] : memref<320000xi32, #tpu.memory_space<hbm>> -> memref<16xi32, #tpu.memory_space<hbm>>
      tpu.wait_dma2 semaphore(%run_scoped3A : memref<!tpu.dma_semaphore, #tpu.memory_space<semaphore_mem>>) src(%dma_wait3A_29 : memref<16xi32, #tpu.memory_space<hbm>>) dst(%arg9 : memref<16xi32, #tpu.memory_space<vmem>>)
      tpu.yield
    }) : () -> ()
    "tpu.region"() ({
      %run_scoped3A = tpu.sem_alloc : memref<!tpu.dma_semaphore, #tpu.memory_space<semaphore_mem>>
      %dma_start3A_27 = arith.constant 9984 : i32
      %dma_start3A_28 = tpu.memref_slice %arg6[%dma_start3A_27] : memref<10000xi32, #tpu.memory_space<vmem>> -> memref<16xi32, #tpu.memory_space<vmem>>
      %dma_start3A_29 = arith.constant 0 : i32
      %dma_start3A_30 = arith.constant 0 : i32
      %dma_start3A_31 = tpu.memref_slice %arg2[%dma_start3A_29, %dma_start3A_30] : memref<10000x128xf32, #tpu.memory_space<hbm>> -> memref<10000x128xf32, #tpu.memory_space<hbm>>
      tpu.enqueue_indirect_dma source(%dma_start3A_31 : memref<10000x128xf32, #tpu.memory_space<hbm>>) target(%arg12 : memref<16x128xf32, #tpu.memory_space<vmem>>) offsets(%dma_start3A_28 : memref<16xi32, #tpu.memory_space<vmem>>) semaphore(%run_scoped3A : memref<!tpu.dma_semaphore, #tpu.memory_space<semaphore_mem>>)
      %dma_wait3A = arith.constant 9984 : i32
      %dma_wait3A_32 = tpu.memref_slice %arg6[%dma_wait3A] : memref<10000xi32, #tpu.memory_space<vmem>> -> memref<16xi32, #tpu.memory_space<vmem>>
      %dma_wait3A_33 = arith.constant 0 : i32
      %dma_wait3A_34 = arith.constant 0 : i32
      %dma_wait3A_35 = tpu.memref_slice %arg2[%dma_wait3A_33, %dma_wait3A_34] : memref<10000x128xf32, #tpu.memory_space<hbm>> -> memref<10000x128xf32, #tpu.memory_space<hbm>>
      tpu.wait_indirect_dma semaphore(%run_scoped3A : memref<!tpu.dma_semaphore, #tpu.memory_space<semaphore_mem>>) src(%dma_wait3A_35 : memref<10000x128xf32, #tpu.memory_space<hbm>>) dst(%arg12 : memref<16x128xf32, #tpu.memory_space<vmem>>)
      tpu.yield
    }) : () -> ()
    "tpu.region"() ({
      %run_scoped3A = tpu.sem_alloc : memref<!tpu.dma_semaphore, #tpu.memory_space<semaphore_mem>>
      %dma_start3A_27 = arith.constant 0 : i32
      %dma_start3A_28 = arith.constant 0 : i32
      %dma_start3A_29 = tpu.memref_slice %arg13[%dma_start3A_27, %dma_start3A_28] : memref<10000x128xf32, #tpu.memory_space<vmem_shared>> -> memref<10000x128xf32, #tpu.memory_space<vmem_shared>>
      tpu.enqueue_indirect_dma source(%arg12 : memref<16x128xf32, #tpu.memory_space<vmem>>) target(%dma_start3A_29 : memref<10000x128xf32, #tpu.memory_space<vmem_shared>>) offsets(%arg9 : memref<16xi32, #tpu.memory_space<vmem>>) semaphore(%run_scoped3A : memref<!tpu.dma_semaphore, #tpu.memory_space<semaphore_mem>>) {add = true}
      %dma_wait3A = arith.constant 0 : i32
      %dma_wait3A_30 = arith.constant 0 : i32
      %dma_wait3A_31 = tpu.memref_slice %arg13[%dma_wait3A, %dma_wait3A_30] : memref<10000x128xf32, #tpu.memory_space<vmem_shared>> -> memref<10000x128xf32, #tpu.memory_space<vmem_shared>>
      tpu.wait_indirect_dma semaphore(%run_scoped3A : memref<!tpu.dma_semaphore, #tpu.memory_space<semaphore_mem>>) src(%arg12 : memref<16x128xf32, #tpu.memory_space<vmem>>) dst(%dma_wait3A_31 : memref<10000x128xf32, #tpu.memory_space<vmem_shared>>)
      tpu.yield
    }) : () -> ()
    %barrier3A_21 = arith.constant 0 : index
    tpu.barrier barrier_id(%barrier3A_21)
    "tpu.region"() ({
      %run_scoped3A = tpu.sem_alloc : memref<!tpu.dma_semaphore, #tpu.memory_space<semaphore_mem>>
      %dma_start3A_27 = arith.constant 0 : i32
      %dma_start3A_28 = tpu.memref_slice %arg5[%arg0, %mul3A_2, %dma_start3A_27] : memref<2x10000x128xf32, #tpu.memory_space<hbm>> -> memref<1x624x128xf32, #tpu.memory_space<hbm>>
      %dma_start3A_29 = tpu.memref_squeeze %dma_start3A_28 : memref<1x624x128xf32, #tpu.memory_space<hbm>> -> memref<624x128xf32, #tpu.memory_space<hbm>>
      %dma_start3A_30 = arith.constant 0 : i32
      %dma_start3A_31 = tpu.memref_slice %arg13[%mul3A_2, %dma_start3A_30] : memref<10000x128xf32, #tpu.memory_space<vmem_shared>> -> memref<624x128xf32, #tpu.memory_space<vmem_shared>>
      tpu.enqueue_dma source(%dma_start3A_31 : memref<624x128xf32, #tpu.memory_space<vmem_shared>>) target(%dma_start3A_29 : memref<624x128xf32, #tpu.memory_space<hbm>>) target_semaphore(%run_scoped3A : memref<!tpu.dma_semaphore, #tpu.memory_space<semaphore_mem>>)
      %dma_wait3A = arith.constant 0 : i32
      %dma_wait3A_32 = tpu.memref_slice %arg5[%arg0, %mul3A_2, %dma_wait3A] : memref<2x10000x128xf32, #tpu.memory_space<hbm>> -> memref<1x624x128xf32, #tpu.memory_space<hbm>>
      %dma_wait3A_33 = tpu.memref_squeeze %dma_wait3A_32 : memref<1x624x128xf32, #tpu.memory_space<hbm>> -> memref<624x128xf32, #tpu.memory_space<hbm>>
      %dma_wait3A_34 = arith.constant 0 : i32
      %dma_wait3A_35 = tpu.memref_slice %arg13[%mul3A_2, %dma_wait3A_34] : memref<10000x128xf32, #tpu.memory_space<vmem_shared>> -> memref<624x128xf32, #tpu.memory_space<vmem_shared>>
      tpu.wait_dma2 semaphore(%run_scoped3A : memref<!tpu.dma_semaphore, #tpu.memory_space<semaphore_mem>>) src(%dma_wait3A_35 : memref<624x128xf32, #tpu.memory_space<vmem_shared>>) dst(%dma_wait3A_33 : memref<624x128xf32, #tpu.memory_space<hbm>>)
      tpu.yield
    }) : () -> ()
    %eq3A_22 = arith.constant 15 : i32
    %eq3A_23 = arith.cmpi eq, %arg1, %eq3A_22 : i32
    %convert_element_type3A_24 = arith.extui %eq3A_23 : i1 to i32
    %cond3A_25 = arith.constant 0 : i32
    %cond3A_26 = arith.cmpi ne, %convert_element_type3A_24, %cond3A_25 : i32
    scf.if %cond3A_26 {
      "tpu.region"() ({
        %run_scoped3A = tpu.sem_alloc : memref<!tpu.dma_semaphore, #tpu.memory_space<semaphore_mem>>
        %dma_start3A_27 = arith.constant 9984 : i32
        %dma_start3A_28 = arith.constant 0 : i32
        %dma_start3A_29 = tpu.memref_slice %arg5[%arg0, %dma_start3A_27, %dma_start3A_28] : memref<2x10000x128xf32, #tpu.memory_space<hbm>> -> memref<1x16x128xf32, #tpu.memory_space<hbm>>
        %dma_start3A_30 = tpu.memref_squeeze %dma_start3A_29 : memref<1x16x128xf32, #tpu.memory_space<hbm>> -> memref<16x128xf32, #tpu.memory_space<hbm>>
        %dma_start3A_31 = arith.constant 9984 : i32
        %dma_start3A_32 = arith.constant 0 : i32
        %dma_start3A_33 = tpu.memref_slice %arg13[%dma_start3A_31, %dma_start3A_32] : memref<10000x128xf32, #tpu.memory_space<vmem_shared>> -> memref<16x128xf32, #tpu.memory_space<vmem_shared>>
        tpu.enqueue_dma source(%dma_start3A_33 : memref<16x128xf32, #tpu.memory_space<vmem_shared>>) target(%dma_start3A_30 : memref<16x128xf32, #tpu.memory_space<hbm>>) target_semaphore(%run_scoped3A : memref<!tpu.dma_semaphore, #tpu.memory_space<semaphore_mem>>)
        %dma_wait3A = arith.constant 9984 : i32
        %dma_wait3A_34 = arith.constant 0 : i32
        %dma_wait3A_35 = tpu.memref_slice %arg5[%arg0, %dma_wait3A, %dma_wait3A_34] : memref<2x10000x128xf32, #tpu.memory_space<hbm>> -> memref<1x16x128xf32, #tpu.memory_space<hbm>>
        %dma_wait3A_36 = tpu.memref_squeeze %dma_wait3A_35 : memref<1x16x128xf32, #tpu.memory_space<hbm>> -> memref<16x128xf32, #tpu.memory_space<hbm>>
        %dma_wait3A_37 = arith.constant 9984 : i32
        %dma_wait3A_38 = arith.constant 0 : i32
        %dma_wait3A_39 = tpu.memref_slice %arg13[%dma_wait3A_37, %dma_wait3A_38] : memref<10000x128xf32, #tpu.memory_space<vmem_shared>> -> memref<16x128xf32, #tpu.memory_space<vmem_shared>>
        tpu.wait_dma2 semaphore(%run_scoped3A : memref<!tpu.dma_semaphore, #tpu.memory_space<semaphore_mem>>) src(%dma_wait3A_39 : memref<16x128xf32, #tpu.memory_space<vmem_shared>>) dst(%dma_wait3A_36 : memref<16x128xf32, #tpu.memory_space<hbm>>)
        tpu.yield
      }) : () -> ()
    } else {
    }
    return
  }
}

#map = affine_map<(d0, d1) -> (0, 0)>
#map1 = affine_map<(d0, d1) -> (0)>
#map2 = affine_map<(d0, d1) -> (0, 0, 0)>
module attributes {stable_mosaic.version = 14 : i64} {
  func.func @_agg_kernel(%arg0: i32, %arg1: i32, %arg2: memref<10000x128xf32, #tpu.memory_space<hbm>>, %arg3: memref<320000xi32, #tpu.memory_space<hbm>>, %arg4: memref<320000xi32, #tpu.memory_space<hbm>>, %arg5: memref<2x10000x128xf32, #tpu.memory_space<hbm>>, %arg6: memref<10000xi32, #tpu.memory_space<vmem>>, %arg7: memref<128xi32, #tpu.memory_space<vmem>>, %arg8: memref<128xi32, #tpu.memory_space<vmem>>, %arg9: memref<16xi32, #tpu.memory_space<vmem>>, %arg10: memref<128x128xf32, #tpu.memory_space<vmem>>, %arg11: memref<128x128xf32, #tpu.memory_space<vmem>>, %arg12: memref<16x128xf32, #tpu.memory_space<vmem>>, %arg13: memref<10000x128xf32, #tpu.memory_space<vmem_shared>>, %arg14: memref<!tpu.dma_semaphore, #tpu.memory_space<semaphore_mem>>, %arg15: memref<!tpu.dma_semaphore, #tpu.memory_space<semaphore_mem>>, %arg16: memref<!tpu.dma_semaphore, #tpu.memory_space<semaphore_mem>>, %arg17: memref<!tpu.dma_semaphore, #tpu.memory_space<semaphore_mem>>) attributes {dimension_semantics = [#tpu.dimension_semantics<core_parallel>, #tpu.dimension_semantics<subcore_parallel>], iteration_bounds = array<i64: 2, 16>, scalar_prefetch = 0 : i64, scratch_operands = 12 : i64, tpu.core_type = #tpu.core_type<sc_vector_subcore>, window_params = [{transform_indices = #map}, {transform_indices = #map1}, {transform_indices = #map1}, {transform_indices = #map2}]} {
    %mul3A = arith.constant 16 : i32
    %mul3A_0 = arith.muli %arg0, %mul3A : i32
    %add3A = arith.addi %mul3A_0, %arg1 : i32
    %mul3A_1 = arith.constant 624 : i32
    %mul3A_2 = arith.muli %arg1, %mul3A_1 : i32
    %mul3A_3 = arith.constant 10000 : i32
    %mul3A_4 = arith.muli %add3A, %mul3A_3 : i32
    "tpu.region"() ({
      %run_scoped3A = tpu.sem_alloc : memref<!tpu.dma_semaphore, #tpu.memory_space<semaphore_mem>>
      %dma_start3A_27 = arith.constant 0 : i32
      %dma_start3A_28 = tpu.memref_slice %arg13[%mul3A_2, %dma_start3A_27] : memref<10000x128xf32, #tpu.memory_space<vmem_shared>> -> memref<624x128xf32, #tpu.memory_space<vmem_shared>>
      %dma_start3A_29 = arith.constant 0 : i32
      %dma_start3A_30 = tpu.memref_slice %arg2[%mul3A_2, %dma_start3A_29] : memref<10000x128xf32, #tpu.memory_space<hbm>> -> memref<624x128xf32, #tpu.memory_space<hbm>>
      tpu.enqueue_dma source(%dma_start3A_30 : memref<624x128xf32, #tpu.memory_space<hbm>>) target(%dma_start3A_28 : memref<624x128xf32, #tpu.memory_space<vmem_shared>>) target_semaphore(%run_scoped3A : memref<!tpu.dma_semaphore, #tpu.memory_space<semaphore_mem>>)
      %dma_wait3A = arith.constant 0 : i32
      %dma_wait3A_31 = tpu.memref_slice %arg13[%mul3A_2, %dma_wait3A] : memref<10000x128xf32, #tpu.memory_space<vmem_shared>> -> memref<624x128xf32, #tpu.memory_space<vmem_shared>>
      %dma_wait3A_32 = arith.constant 0 : i32
      %dma_wait3A_33 = tpu.memref_slice %arg2[%mul3A_2, %dma_wait3A_32] : memref<10000x128xf32, #tpu.memory_space<hbm>> -> memref<624x128xf32, #tpu.memory_space<hbm>>
      tpu.wait_dma2 semaphore(%run_scoped3A : memref<!tpu.dma_semaphore, #tpu.memory_space<semaphore_mem>>) src(%dma_wait3A_33 : memref<624x128xf32, #tpu.memory_space<hbm>>) dst(%dma_wait3A_31 : memref<624x128xf32, #tpu.memory_space<vmem_shared>>)
      tpu.yield
    }) : () -> ()
    %eq3A = arith.constant 15 : i32
    %eq3A_5 = arith.cmpi eq, %arg1, %eq3A : i32
    %convert_element_type3A = arith.extui %eq3A_5 : i1 to i32
    %cond3A = arith.constant 0 : i32
    %cond3A_6 = arith.cmpi ne, %convert_element_type3A, %cond3A : i32
    scf.if %cond3A_6 {
      "tpu.region"() ({
        %run_scoped3A = tpu.sem_alloc : memref<!tpu.dma_semaphore, #tpu.memory_space<semaphore_mem>>
        %dma_start3A_27 = arith.constant 9984 : i32
        %dma_start3A_28 = arith.constant 0 : i32
        %dma_start3A_29 = tpu.memref_slice %arg13[%dma_start3A_27, %dma_start3A_28] : memref<10000x128xf32, #tpu.memory_space<vmem_shared>> -> memref<16x128xf32, #tpu.memory_space<vmem_shared>>
        %dma_start3A_30 = arith.constant 9984 : i32
        %dma_start3A_31 = arith.constant 0 : i32
        %dma_start3A_32 = tpu.memref_slice %arg2[%dma_start3A_30, %dma_start3A_31] : memref<10000x128xf32, #tpu.memory_space<hbm>> -> memref<16x128xf32, #tpu.memory_space<hbm>>
        tpu.enqueue_dma source(%dma_start3A_32 : memref<16x128xf32, #tpu.memory_space<hbm>>) target(%dma_start3A_29 : memref<16x128xf32, #tpu.memory_space<vmem_shared>>) target_semaphore(%run_scoped3A : memref<!tpu.dma_semaphore, #tpu.memory_space<semaphore_mem>>)
        %dma_wait3A = arith.constant 9984 : i32
        %dma_wait3A_33 = arith.constant 0 : i32
        %dma_wait3A_34 = tpu.memref_slice %arg13[%dma_wait3A, %dma_wait3A_33] : memref<10000x128xf32, #tpu.memory_space<vmem_shared>> -> memref<16x128xf32, #tpu.memory_space<vmem_shared>>
        %dma_wait3A_35 = arith.constant 9984 : i32
        %dma_wait3A_36 = arith.constant 0 : i32
        %dma_wait3A_37 = tpu.memref_slice %arg2[%dma_wait3A_35, %dma_wait3A_36] : memref<10000x128xf32, #tpu.memory_space<hbm>> -> memref<16x128xf32, #tpu.memory_space<hbm>>
        tpu.wait_dma2 semaphore(%run_scoped3A : memref<!tpu.dma_semaphore, #tpu.memory_space<semaphore_mem>>) src(%dma_wait3A_37 : memref<16x128xf32, #tpu.memory_space<hbm>>) dst(%dma_wait3A_34 : memref<16x128xf32, #tpu.memory_space<vmem_shared>>)
        tpu.yield
      }) : () -> ()
    } else {
    }
    "tpu.region"() ({
      %run_scoped3A = tpu.sem_alloc : memref<!tpu.dma_semaphore, #tpu.memory_space<semaphore_mem>>
      %dma_start3A_27 = tpu.memref_slice %arg3[%mul3A_4] : memref<320000xi32, #tpu.memory_space<hbm>> -> memref<10000xi32, #tpu.memory_space<hbm>>
      %dma_start3A_28 = tpu.memref_slice %arg3[%mul3A_4] : memref<320000xi32, #tpu.memory_space<hbm>> -> memref<10000xi32, #tpu.memory_space<hbm>>
      tpu.enqueue_dma source(%dma_start3A_28 : memref<10000xi32, #tpu.memory_space<hbm>>) target(%arg6 : memref<10000xi32, #tpu.memory_space<vmem>>) target_semaphore(%run_scoped3A : memref<!tpu.dma_semaphore, #tpu.memory_space<semaphore_mem>>)
      %dma_wait3A = tpu.memref_slice %arg3[%mul3A_4] : memref<320000xi32, #tpu.memory_space<hbm>> -> memref<10000xi32, #tpu.memory_space<hbm>>
      %dma_wait3A_29 = tpu.memref_slice %arg3[%mul3A_4] : memref<320000xi32, #tpu.memory_space<hbm>> -> memref<10000xi32, #tpu.memory_space<hbm>>
      tpu.wait_dma2 semaphore(%run_scoped3A : memref<!tpu.dma_semaphore, #tpu.memory_space<semaphore_mem>>) src(%dma_wait3A_29 : memref<10000xi32, #tpu.memory_space<hbm>>) dst(%arg6 : memref<10000xi32, #tpu.memory_space<vmem>>)
      tpu.yield
    }) : () -> ()
    %barrier3A = arith.constant 0 : index
    tpu.barrier barrier_id(%barrier3A)
    %add3A_7 = arith.constant 0 : i32
    %add3A_8 = arith.addi %mul3A_4, %add3A_7 : i32
    %dma_start3A = tpu.memref_slice %arg4[%add3A_8] : memref<320000xi32, #tpu.memory_space<hbm>> -> memref<128xi32, #tpu.memory_space<hbm>>
    %dma_start3A_9 = tpu.memref_slice %arg4[%add3A_8] : memref<320000xi32, #tpu.memory_space<hbm>> -> memref<128xi32, #tpu.memory_space<hbm>>
    tpu.enqueue_dma source(%dma_start3A_9 : memref<128xi32, #tpu.memory_space<hbm>>) target(%arg7 : memref<128xi32, #tpu.memory_space<vmem>>) target_semaphore(%arg14 : memref<!tpu.dma_semaphore, #tpu.memory_space<semaphore_mem>>)
    %dma_start3A_10 = arith.constant 0 : i32
    %dma_start3A_11 = tpu.memref_slice %arg6[%dma_start3A_10] : memref<10000xi32, #tpu.memory_space<vmem>> -> memref<128xi32, #tpu.memory_space<vmem>>
    %dma_start3A_12 = arith.constant 0 : i32
    %dma_start3A_13 = arith.constant 0 : i32
    %dma_start3A_14 = tpu.memref_slice %arg2[%dma_start3A_12, %dma_start3A_13] : memref<10000x128xf32, #tpu.memory_space<hbm>> -> memref<10000x128xf32, #tpu.memory_space<hbm>>
    tpu.enqueue_indirect_dma source(%dma_start3A_14 : memref<10000x128xf32, #tpu.memory_space<hbm>>) target(%arg10 : memref<128x128xf32, #tpu.memory_space<vmem>>) offsets(%dma_start3A_11 : memref<128xi32, #tpu.memory_space<vmem>>) semaphore(%arg16 : memref<!tpu.dma_semaphore, #tpu.memory_space<semaphore_mem>>)
    %scan3A = arith.constant 0 : i32
    %scan3A_15 = arith.constant 39 : i32
    %scan3A_16 = arith.addi %scan3A, %scan3A_15 : i32
    %scan3A_17 = arith.constant 1 : i32
    scf.for %scan3A_27 = %scan3A to %scan3A_16 step %scan3A_17  : i32 {
      %mul3A_28 = arith.constant 1 : i32
      %mul3A_29 = arith.muli %scan3A_27, %mul3A_28 : i32
      %add3A_30 = arith.constant 0 : i32
      %add3A_31 = arith.addi %add3A_30, %mul3A_29 : i32
      %mul3A_32 = arith.constant 2 : i32
      %mul3A_33 = arith.muli %mul3A_32, %add3A_31 : i32
      %mul3A_34 = arith.constant 128 : i32
      %mul3A_35 = arith.muli %mul3A_33, %mul3A_34 : i32
      %add3A_36 = arith.addi %mul3A_4, %mul3A_35 : i32
      %dma_wait3A = tpu.memref_slice %arg4[%add3A_36] : memref<320000xi32, #tpu.memory_space<hbm>> -> memref<128xi32, #tpu.memory_space<hbm>>
      %dma_wait3A_37 = tpu.memref_slice %arg4[%add3A_36] : memref<320000xi32, #tpu.memory_space<hbm>> -> memref<128xi32, #tpu.memory_space<hbm>>
      tpu.wait_dma2 semaphore(%arg14 : memref<!tpu.dma_semaphore, #tpu.memory_space<semaphore_mem>>) src(%dma_wait3A_37 : memref<128xi32, #tpu.memory_space<hbm>>) dst(%arg7 : memref<128xi32, #tpu.memory_space<vmem>>)
      %mul3A_38 = arith.constant 128 : i32
      %mul3A_39 = arith.muli %mul3A_33, %mul3A_38 : i32
      %dma_wait3A_40 = tpu.memref_slice %arg6[%mul3A_39] : memref<10000xi32, #tpu.memory_space<vmem>> -> memref<128xi32, #tpu.memory_space<vmem>>
      %dma_wait3A_41 = arith.constant 0 : i32
      %dma_wait3A_42 = arith.constant 0 : i32
      %dma_wait3A_43 = tpu.memref_slice %arg2[%dma_wait3A_41, %dma_wait3A_42] : memref<10000x128xf32, #tpu.memory_space<hbm>> -> memref<10000x128xf32, #tpu.memory_space<hbm>>
      tpu.wait_indirect_dma semaphore(%arg16 : memref<!tpu.dma_semaphore, #tpu.memory_space<semaphore_mem>>) src(%dma_wait3A_43 : memref<10000x128xf32, #tpu.memory_space<hbm>>) dst(%arg10 : memref<128x128xf32, #tpu.memory_space<vmem>>)
      %add3A_44 = arith.constant 1 : i32
      %add3A_45 = arith.addi %mul3A_33, %add3A_44 : i32
      %mul3A_46 = arith.constant 128 : i32
      %mul3A_47 = arith.muli %add3A_45, %mul3A_46 : i32
      %add3A_48 = arith.addi %mul3A_4, %mul3A_47 : i32
      %dma_start3A_49 = tpu.memref_slice %arg4[%add3A_48] : memref<320000xi32, #tpu.memory_space<hbm>> -> memref<128xi32, #tpu.memory_space<hbm>>
      %dma_start3A_50 = tpu.memref_slice %arg4[%add3A_48] : memref<320000xi32, #tpu.memory_space<hbm>> -> memref<128xi32, #tpu.memory_space<hbm>>
      tpu.enqueue_dma source(%dma_start3A_50 : memref<128xi32, #tpu.memory_space<hbm>>) target(%arg8 : memref<128xi32, #tpu.memory_space<vmem>>) target_semaphore(%arg15 : memref<!tpu.dma_semaphore, #tpu.memory_space<semaphore_mem>>)
      %add3A_51 = arith.constant 1 : i32
      %add3A_52 = arith.addi %mul3A_33, %add3A_51 : i32
      %mul3A_53 = arith.constant 128 : i32
      %mul3A_54 = arith.muli %add3A_52, %mul3A_53 : i32
      %dma_start3A_55 = tpu.memref_slice %arg6[%mul3A_54] : memref<10000xi32, #tpu.memory_space<vmem>> -> memref<128xi32, #tpu.memory_space<vmem>>
      %dma_start3A_56 = arith.constant 0 : i32
      %dma_start3A_57 = arith.constant 0 : i32
      %dma_start3A_58 = tpu.memref_slice %arg2[%dma_start3A_56, %dma_start3A_57] : memref<10000x128xf32, #tpu.memory_space<hbm>> -> memref<10000x128xf32, #tpu.memory_space<hbm>>
      tpu.enqueue_indirect_dma source(%dma_start3A_58 : memref<10000x128xf32, #tpu.memory_space<hbm>>) target(%arg11 : memref<128x128xf32, #tpu.memory_space<vmem>>) offsets(%dma_start3A_55 : memref<128xi32, #tpu.memory_space<vmem>>) semaphore(%arg17 : memref<!tpu.dma_semaphore, #tpu.memory_space<semaphore_mem>>)
      "tpu.region"() ({
        %run_scoped3A = tpu.sem_alloc : memref<!tpu.dma_semaphore, #tpu.memory_space<semaphore_mem>>
        %dma_start3A_78 = arith.constant 0 : i32
        %dma_start3A_79 = arith.constant 0 : i32
        %dma_start3A_80 = tpu.memref_slice %arg13[%dma_start3A_78, %dma_start3A_79] : memref<10000x128xf32, #tpu.memory_space<vmem_shared>> -> memref<10000x128xf32, #tpu.memory_space<vmem_shared>>
        tpu.enqueue_indirect_dma source(%arg10 : memref<128x128xf32, #tpu.memory_space<vmem>>) target(%dma_start3A_80 : memref<10000x128xf32, #tpu.memory_space<vmem_shared>>) offsets(%arg7 : memref<128xi32, #tpu.memory_space<vmem>>) semaphore(%run_scoped3A : memref<!tpu.dma_semaphore, #tpu.memory_space<semaphore_mem>>) {add = true}
        %dma_wait3A_81 = arith.constant 0 : i32
        %dma_wait3A_82 = arith.constant 0 : i32
        %dma_wait3A_83 = tpu.memref_slice %arg13[%dma_wait3A_81, %dma_wait3A_82] : memref<10000x128xf32, #tpu.memory_space<vmem_shared>> -> memref<10000x128xf32, #tpu.memory_space<vmem_shared>>
        tpu.wait_indirect_dma semaphore(%run_scoped3A : memref<!tpu.dma_semaphore, #tpu.memory_space<semaphore_mem>>) src(%arg10 : memref<128x128xf32, #tpu.memory_space<vmem>>) dst(%dma_wait3A_83 : memref<10000x128xf32, #tpu.memory_space<vmem_shared>>)
        tpu.yield
      }) : () -> ()
      %add3A_59 = arith.constant 1 : i32
      %add3A_60 = arith.addi %mul3A_33, %add3A_59 : i32
      %mul3A_61 = arith.constant 128 : i32
      %mul3A_62 = arith.muli %add3A_60, %mul3A_61 : i32
      %add3A_63 = arith.addi %mul3A_4, %mul3A_62 : i32
      %dma_wait3A_64 = tpu.memref_slice %arg4[%add3A_63] : memref<320000xi32, #tpu.memory_space<hbm>> -> memref<128xi32, #tpu.memory_space<hbm>>
      %dma_wait3A_65 = tpu.memref_slice %arg4[%add3A_63] : memref<320000xi32, #tpu.memory_space<hbm>> -> memref<128xi32, #tpu.memory_space<hbm>>
      tpu.wait_dma2 semaphore(%arg15 : memref<!tpu.dma_semaphore, #tpu.memory_space<semaphore_mem>>) src(%dma_wait3A_65 : memref<128xi32, #tpu.memory_space<hbm>>) dst(%arg8 : memref<128xi32, #tpu.memory_space<vmem>>)
      %add3A_66 = arith.constant 1 : i32
      %add3A_67 = arith.addi %mul3A_33, %add3A_66 : i32
      %mul3A_68 = arith.constant 128 : i32
      %mul3A_69 = arith.muli %add3A_67, %mul3A_68 : i32
      %dma_wait3A_70 = tpu.memref_slice %arg6[%mul3A_69] : memref<10000xi32, #tpu.memory_space<vmem>> -> memref<128xi32, #tpu.memory_space<vmem>>
      %dma_wait3A_71 = arith.constant 0 : i32
      %dma_wait3A_72 = arith.constant 0 : i32
      %dma_wait3A_73 = tpu.memref_slice %arg2[%dma_wait3A_71, %dma_wait3A_72] : memref<10000x128xf32, #tpu.memory_space<hbm>> -> memref<10000x128xf32, #tpu.memory_space<hbm>>
      tpu.wait_indirect_dma semaphore(%arg17 : memref<!tpu.dma_semaphore, #tpu.memory_space<semaphore_mem>>) src(%dma_wait3A_73 : memref<10000x128xf32, #tpu.memory_space<hbm>>) dst(%arg11 : memref<128x128xf32, #tpu.memory_space<vmem>>)
      %lt3A = arith.constant 38 : i32
      %lt3A_74 = arith.cmpi slt, %add3A_31, %lt3A : i32
      %convert_element_type3A_75 = arith.extui %lt3A_74 : i1 to i32
      %cond3A_76 = arith.constant 0 : i32
      %cond3A_77 = arith.cmpi ne, %convert_element_type3A_75, %cond3A_76 : i32
      scf.if %cond3A_77 {
        %add3A_78 = arith.constant 2 : i32
        %add3A_79 = arith.addi %mul3A_33, %add3A_78 : i32
        %mul3A_80 = arith.constant 128 : i32
        %mul3A_81 = arith.muli %add3A_79, %mul3A_80 : i32
        %add3A_82 = arith.addi %mul3A_4, %mul3A_81 : i32
        %dma_start3A_83 = tpu.memref_slice %arg4[%add3A_82] : memref<320000xi32, #tpu.memory_space<hbm>> -> memref<128xi32, #tpu.memory_space<hbm>>
        %dma_start3A_84 = tpu.memref_slice %arg4[%add3A_82] : memref<320000xi32, #tpu.memory_space<hbm>> -> memref<128xi32, #tpu.memory_space<hbm>>
        tpu.enqueue_dma source(%dma_start3A_84 : memref<128xi32, #tpu.memory_space<hbm>>) target(%arg7 : memref<128xi32, #tpu.memory_space<vmem>>) target_semaphore(%arg14 : memref<!tpu.dma_semaphore, #tpu.memory_space<semaphore_mem>>)
        %add3A_85 = arith.constant 2 : i32
        %add3A_86 = arith.addi %mul3A_33, %add3A_85 : i32
        %mul3A_87 = arith.constant 128 : i32
        %mul3A_88 = arith.muli %add3A_86, %mul3A_87 : i32
        %dma_start3A_89 = tpu.memref_slice %arg6[%mul3A_88] : memref<10000xi32, #tpu.memory_space<vmem>> -> memref<128xi32, #tpu.memory_space<vmem>>
        %dma_start3A_90 = arith.constant 0 : i32
        %dma_start3A_91 = arith.constant 0 : i32
        %dma_start3A_92 = tpu.memref_slice %arg2[%dma_start3A_90, %dma_start3A_91] : memref<10000x128xf32, #tpu.memory_space<hbm>> -> memref<10000x128xf32, #tpu.memory_space<hbm>>
        tpu.enqueue_indirect_dma source(%dma_start3A_92 : memref<10000x128xf32, #tpu.memory_space<hbm>>) target(%arg10 : memref<128x128xf32, #tpu.memory_space<vmem>>) offsets(%dma_start3A_89 : memref<128xi32, #tpu.memory_space<vmem>>) semaphore(%arg16 : memref<!tpu.dma_semaphore, #tpu.memory_space<semaphore_mem>>)
      } else {
      }
      "tpu.region"() ({
        %run_scoped3A = tpu.sem_alloc : memref<!tpu.dma_semaphore, #tpu.memory_space<semaphore_mem>>
        %dma_start3A_78 = arith.constant 0 : i32
        %dma_start3A_79 = arith.constant 0 : i32
        %dma_start3A_80 = tpu.memref_slice %arg13[%dma_start3A_78, %dma_start3A_79] : memref<10000x128xf32, #tpu.memory_space<vmem_shared>> -> memref<10000x128xf32, #tpu.memory_space<vmem_shared>>
        tpu.enqueue_indirect_dma source(%arg11 : memref<128x128xf32, #tpu.memory_space<vmem>>) target(%dma_start3A_80 : memref<10000x128xf32, #tpu.memory_space<vmem_shared>>) offsets(%arg8 : memref<128xi32, #tpu.memory_space<vmem>>) semaphore(%run_scoped3A : memref<!tpu.dma_semaphore, #tpu.memory_space<semaphore_mem>>) {add = true}
        %dma_wait3A_81 = arith.constant 0 : i32
        %dma_wait3A_82 = arith.constant 0 : i32
        %dma_wait3A_83 = tpu.memref_slice %arg13[%dma_wait3A_81, %dma_wait3A_82] : memref<10000x128xf32, #tpu.memory_space<vmem_shared>> -> memref<10000x128xf32, #tpu.memory_space<vmem_shared>>
        tpu.wait_indirect_dma semaphore(%run_scoped3A : memref<!tpu.dma_semaphore, #tpu.memory_space<semaphore_mem>>) src(%arg11 : memref<128x128xf32, #tpu.memory_space<vmem>>) dst(%dma_wait3A_83 : memref<10000x128xf32, #tpu.memory_space<vmem_shared>>)
        tpu.yield
      }) : () -> ()
    }
    %scan3A_18 = arith.constant 39 : i32
    %add3A_19 = arith.constant 9984 : i32
    %add3A_20 = arith.addi %mul3A_4, %add3A_19 : i32
    "tpu.region"() ({
      %run_scoped3A = tpu.sem_alloc : memref<!tpu.dma_semaphore, #tpu.memory_space<semaphore_mem>>
      %dma_start3A_27 = tpu.memref_slice %arg4[%add3A_20] : memref<320000xi32, #tpu.memory_space<hbm>> -> memref<16xi32, #tpu.memory_space<hbm>>
      %dma_start3A_28 = tpu.memref_slice %arg4[%add3A_20] : memref<320000xi32, #tpu.memory_space<hbm>> -> memref<16xi32, #tpu.memory_space<hbm>>
      tpu.enqueue_dma source(%dma_start3A_28 : memref<16xi32, #tpu.memory_space<hbm>>) target(%arg9 : memref<16xi32, #tpu.memory_space<vmem>>) target_semaphore(%run_scoped3A : memref<!tpu.dma_semaphore, #tpu.memory_space<semaphore_mem>>)
      %dma_wait3A = tpu.memref_slice %arg4[%add3A_20] : memref<320000xi32, #tpu.memory_space<hbm>> -> memref<16xi32, #tpu.memory_space<hbm>>
      %dma_wait3A_29 = tpu.memref_slice %arg4[%add3A_20] : memref<320000xi32, #tpu.memory_space<hbm>> -> memref<16xi32, #tpu.memory_space<hbm>>
      tpu.wait_dma2 semaphore(%run_scoped3A : memref<!tpu.dma_semaphore, #tpu.memory_space<semaphore_mem>>) src(%dma_wait3A_29 : memref<16xi32, #tpu.memory_space<hbm>>) dst(%arg9 : memref<16xi32, #tpu.memory_space<vmem>>)
      tpu.yield
    }) : () -> ()
    "tpu.region"() ({
      %run_scoped3A = tpu.sem_alloc : memref<!tpu.dma_semaphore, #tpu.memory_space<semaphore_mem>>
      %dma_start3A_27 = arith.constant 9984 : i32
      %dma_start3A_28 = tpu.memref_slice %arg6[%dma_start3A_27] : memref<10000xi32, #tpu.memory_space<vmem>> -> memref<16xi32, #tpu.memory_space<vmem>>
      %dma_start3A_29 = arith.constant 0 : i32
      %dma_start3A_30 = arith.constant 0 : i32
      %dma_start3A_31 = tpu.memref_slice %arg2[%dma_start3A_29, %dma_start3A_30] : memref<10000x128xf32, #tpu.memory_space<hbm>> -> memref<10000x128xf32, #tpu.memory_space<hbm>>
      tpu.enqueue_indirect_dma source(%dma_start3A_31 : memref<10000x128xf32, #tpu.memory_space<hbm>>) target(%arg12 : memref<16x128xf32, #tpu.memory_space<vmem>>) offsets(%dma_start3A_28 : memref<16xi32, #tpu.memory_space<vmem>>) semaphore(%run_scoped3A : memref<!tpu.dma_semaphore, #tpu.memory_space<semaphore_mem>>)
      %dma_wait3A = arith.constant 9984 : i32
      %dma_wait3A_32 = tpu.memref_slice %arg6[%dma_wait3A] : memref<10000xi32, #tpu.memory_space<vmem>> -> memref<16xi32, #tpu.memory_space<vmem>>
      %dma_wait3A_33 = arith.constant 0 : i32
      %dma_wait3A_34 = arith.constant 0 : i32
      %dma_wait3A_35 = tpu.memref_slice %arg2[%dma_wait3A_33, %dma_wait3A_34] : memref<10000x128xf32, #tpu.memory_space<hbm>> -> memref<10000x128xf32, #tpu.memory_space<hbm>>
      tpu.wait_indirect_dma semaphore(%run_scoped3A : memref<!tpu.dma_semaphore, #tpu.memory_space<semaphore_mem>>) src(%dma_wait3A_35 : memref<10000x128xf32, #tpu.memory_space<hbm>>) dst(%arg12 : memref<16x128xf32, #tpu.memory_space<vmem>>)
      tpu.yield
    }) : () -> ()
    "tpu.region"() ({
      %run_scoped3A = tpu.sem_alloc : memref<!tpu.dma_semaphore, #tpu.memory_space<semaphore_mem>>
      %dma_start3A_27 = arith.constant 0 : i32
      %dma_start3A_28 = arith.constant 0 : i32
      %dma_start3A_29 = tpu.memref_slice %arg13[%dma_start3A_27, %dma_start3A_28] : memref<10000x128xf32, #tpu.memory_space<vmem_shared>> -> memref<10000x128xf32, #tpu.memory_space<vmem_shared>>
      tpu.enqueue_indirect_dma source(%arg12 : memref<16x128xf32, #tpu.memory_space<vmem>>) target(%dma_start3A_29 : memref<10000x128xf32, #tpu.memory_space<vmem_shared>>) offsets(%arg9 : memref<16xi32, #tpu.memory_space<vmem>>) semaphore(%run_scoped3A : memref<!tpu.dma_semaphore, #tpu.memory_space<semaphore_mem>>) {add = true}
      %dma_wait3A = arith.constant 0 : i32
      %dma_wait3A_30 = arith.constant 0 : i32
      %dma_wait3A_31 = tpu.memref_slice %arg13[%dma_wait3A, %dma_wait3A_30] : memref<10000x128xf32, #tpu.memory_space<vmem_shared>> -> memref<10000x128xf32, #tpu.memory_space<vmem_shared>>
      tpu.wait_indirect_dma semaphore(%run_scoped3A : memref<!tpu.dma_semaphore, #tpu.memory_space<semaphore_mem>>) src(%arg12 : memref<16x128xf32, #tpu.memory_space<vmem>>) dst(%dma_wait3A_31 : memref<10000x128xf32, #tpu.memory_space<vmem_shared>>)
      tpu.yield
    }) : () -> ()
    %barrier3A_21 = arith.constant 0 : index
    tpu.barrier barrier_id(%barrier3A_21)
    "tpu.region"() ({
      %run_scoped3A = tpu.sem_alloc : memref<!tpu.dma_semaphore, #tpu.memory_space<semaphore_mem>>
      %dma_start3A_27 = arith.constant 0 : i32
      %dma_start3A_28 = tpu.memref_slice %arg5[%arg0, %mul3A_2, %dma_start3A_27] : memref<2x10000x128xf32, #tpu.memory_space<hbm>> -> memref<1x624x128xf32, #tpu.memory_space<hbm>>
      %dma_start3A_29 = tpu.memref_squeeze %dma_start3A_28 : memref<1x624x128xf32, #tpu.memory_space<hbm>> -> memref<624x128xf32, #tpu.memory_space<hbm>>
      %dma_start3A_30 = arith.constant 0 : i32
      %dma_start3A_31 = tpu.memref_slice %arg13[%mul3A_2, %dma_start3A_30] : memref<10000x128xf32, #tpu.memory_space<vmem_shared>> -> memref<624x128xf32, #tpu.memory_space<vmem_shared>>
      tpu.enqueue_dma source(%dma_start3A_31 : memref<624x128xf32, #tpu.memory_space<vmem_shared>>) target(%dma_start3A_29 : memref<624x128xf32, #tpu.memory_space<hbm>>) target_semaphore(%run_scoped3A : memref<!tpu.dma_semaphore, #tpu.memory_space<semaphore_mem>>)
      %dma_wait3A = arith.constant 0 : i32
      %dma_wait3A_32 = tpu.memref_slice %arg5[%arg0, %mul3A_2, %dma_wait3A] : memref<2x10000x128xf32, #tpu.memory_space<hbm>> -> memref<1x624x128xf32, #tpu.memory_space<hbm>>
      %dma_wait3A_33 = tpu.memref_squeeze %dma_wait3A_32 : memref<1x624x128xf32, #tpu.memory_space<hbm>> -> memref<624x128xf32, #tpu.memory_space<hbm>>
      %dma_wait3A_34 = arith.constant 0 : i32
      %dma_wait3A_35 = tpu.memref_slice %arg13[%mul3A_2, %dma_wait3A_34] : memref<10000x128xf32, #tpu.memory_space<vmem_shared>> -> memref<624x128xf32, #tpu.memory_space<vmem_shared>>
      tpu.wait_dma2 semaphore(%run_scoped3A : memref<!tpu.dma_semaphore, #tpu.memory_space<semaphore_mem>>) src(%dma_wait3A_35 : memref<624x128xf32, #tpu.memory_space<vmem_shared>>) dst(%dma_wait3A_33 : memref<624x128xf32, #tpu.memory_space<hbm>>)
      tpu.yield
    }) : () -> ()
    %eq3A_22 = arith.constant 15 : i32
    %eq3A_23 = arith.cmpi eq, %arg1, %eq3A_22 : i32
    %convert_element_type3A_24 = arith.extui %eq3A_23 : i1 to i32
    %cond3A_25 = arith.constant 0 : i32
    %cond3A_26 = arith.cmpi ne, %convert_element_type3A_24, %cond3A_25 : i32
    scf.if %cond3A_26 {
      "tpu.region"() ({
        %run_scoped3A = tpu.sem_alloc : memref<!tpu.dma_semaphore, #tpu.memory_space<semaphore_mem>>
        %dma_start3A_27 = arith.constant 9984 : i32
        %dma_start3A_28 = arith.constant 0 : i32
        %dma_start3A_29 = tpu.memref_slice %arg5[%arg0, %dma_start3A_27, %dma_start3A_28] : memref<2x10000x128xf32, #tpu.memory_space<hbm>> -> memref<1x16x128xf32, #tpu.memory_space<hbm>>
        %dma_start3A_30 = tpu.memref_squeeze %dma_start3A_29 : memref<1x16x128xf32, #tpu.memory_space<hbm>> -> memref<16x128xf32, #tpu.memory_space<hbm>>
        %dma_start3A_31 = arith.constant 9984 : i32
        %dma_start3A_32 = arith.constant 0 : i32
        %dma_start3A_33 = tpu.memref_slice %arg13[%dma_start3A_31, %dma_start3A_32] : memref<10000x128xf32, #tpu.memory_space<vmem_shared>> -> memref<16x128xf32, #tpu.memory_space<vmem_shared>>
        tpu.enqueue_dma source(%dma_start3A_33 : memref<16x128xf32, #tpu.memory_space<vmem_shared>>) target(%dma_start3A_30 : memref<16x128xf32, #tpu.memory_space<hbm>>) target_semaphore(%run_scoped3A : memref<!tpu.dma_semaphore, #tpu.memory_space<semaphore_mem>>)
        %dma_wait3A = arith.constant 9984 : i32
        %dma_wait3A_34 = arith.constant 0 : i32
        %dma_wait3A_35 = tpu.memref_slice %arg5[%arg0, %dma_wait3A, %dma_wait3A_34] : memref<2x10000x128xf32, #tpu.memory_space<hbm>> -> memref<1x16x128xf32, #tpu.memory_space<hbm>>
        %dma_wait3A_36 = tpu.memref_squeeze %dma_wait3A_35 : memref<1x16x128xf32, #tpu.memory_space<hbm>> -> memref<16x128xf32, #tpu.memory_space<hbm>>
        %dma_wait3A_37 = arith.constant 9984 : i32
        %dma_wait3A_38 = arith.constant 0 : i32
        %dma_wait3A_39 = tpu.memref_slice %arg13[%dma_wait3A_37, %dma_wait3A_38] : memref<10000x128xf32, #tpu.memory_space<vmem_shared>> -> memref<16x128xf32, #tpu.memory_space<vmem_shared>>
        tpu.wait_dma2 semaphore(%run_scoped3A : memref<!tpu.dma_semaphore, #tpu.memory_space<semaphore_mem>>) src(%dma_wait3A_39 : memref<16x128xf32, #tpu.memory_space<vmem_shared>>) dst(%dma_wait3A_36 : memref<16x128xf32, #tpu.memory_space<hbm>>)
        tpu.yield
      }) : () -> ()
    } else {
    }
    return
  }
}

module attributes {stable_mosaic.version = 14 : i64} {
  func.func @_mid_body(%arg0: i32, %arg1: memref<2x1000x128xf32, #tpu.memory_space<vmem>>, %arg2: memref<1000x128xf32, #tpu.memory_space<vmem>>, %arg3: memref<2x1000x128xf32, #tpu.memory_space<vmem>>, %arg4: memref<1x128xf32, #tpu.memory_space<vmem>>, %arg5: memref<1x128xf32, #tpu.memory_space<vmem>>, %arg6: memref<1x128xf32, #tpu.memory_space<vmem>>, %arg7: memref<128x128xf32, #tpu.memory_space<vmem>>, %arg8: memref<1000x128xf32, #tpu.memory_space<vmem>>) attributes {dimension_semantics = [#tpu.dimension_semantics<arbitrary>], iteration_bounds = array<i64: 10>, scalar_prefetch = 0 : i64, scratch_operands = 0 : i64, tpu.core_type = #tpu.core_type<tc>, window_params = [{transform_indices = @transform_0, window_bounds = array<i64: 2, 1000, 128>}, {transform_indices = @transform_1, window_bounds = array<i64: 1000, 128>}, {transform_indices = @transform_2, window_bounds = array<i64: 2, 1000, 128>}, {pipeline_mode = #tpu.pipeline_mode<synchronous>, transform_indices = @transform_3, window_bounds = array<i64: 1, 128>}, {pipeline_mode = #tpu.pipeline_mode<synchronous>, transform_indices = @transform_4, window_bounds = array<i64: 1, 128>}, {pipeline_mode = #tpu.pipeline_mode<synchronous>, transform_indices = @transform_5, window_bounds = array<i64: 1, 128>}, {pipeline_mode = #tpu.pipeline_mode<synchronous>, transform_indices = @transform_6, window_bounds = array<i64: 128, 128>}, {transform_indices = @transform_7, window_bounds = array<i64: 1000, 128>}]} {
    %get3A = arith.constant 0 : index
    %get3A_0 = arith.constant 0 : index
    %get3A_1 = arith.constant 0 : index
    %get3A_2 = vector.load %arg3[%get3A, %get3A_0, %get3A_1] : memref<2x1000x128xf32, #tpu.memory_space<vmem>>, vector<2x1000x128xf32>
    %slice3A = vector.extract_strided_slice %get3A_2 {offsets = [0, 0, 0], sizes = [1, 1000, 128], strides = [1, 1, 1]} : vector<2x1000x128xf32> to vector<1x1000x128xf32>
    %squeeze3A = vector.shape_cast %slice3A : vector<1x1000x128xf32> to vector<1000x128xf32>
    %slice3A_3 = vector.extract_strided_slice %squeeze3A {offsets = [0, 0], sizes = [1000, 1], strides = [1, 1]} : vector<1000x128xf32> to vector<1000x1xf32>
    %slice3A_4 = vector.extract_strided_slice %get3A_2 {offsets = [1, 0, 0], sizes = [1, 1000, 128], strides = [1, 1, 1]} : vector<2x1000x128xf32> to vector<1x1000x128xf32>
    %squeeze3A_5 = vector.shape_cast %slice3A_4 : vector<1x1000x128xf32> to vector<1000x128xf32>
    %slice3A_6 = vector.extract_strided_slice %squeeze3A_5 {offsets = [0, 0], sizes = [1000, 1], strides = [1, 1]} : vector<1000x128xf32> to vector<1000x1xf32>
    %add3A = arith.addf %slice3A_3, %slice3A_6 : vector<1000x1xf32>
    %sub3A = arith.constant 1.000000e+00 : f32
    %sub3A_7 = vector.broadcast %sub3A : f32 to vector<1000x1xf32>
    %sub3A_8 = arith.subf %add3A, %sub3A_7 : vector<1000x1xf32>
    %sqrt3A = math.sqrt %sub3A_8 : vector<1000x1xf32>
    %div3A = arith.constant 1.000000e+00 : f32
    %div3A_9 = vector.broadcast %div3A : f32 to vector<1000x1xf32>
    %div3A_10 = arith.divf %div3A_9, %sqrt3A : vector<1000x1xf32>
    %get3A_11 = arith.constant 0 : index
    %get3A_12 = arith.constant 0 : index
    %get3A_13 = arith.constant 0 : index
    %get3A_14 = vector.load %arg1[%get3A_11, %get3A_12, %get3A_13] : memref<2x1000x128xf32, #tpu.memory_space<vmem>>, vector<2x1000x128xf32>
    %slice3A_15 = vector.extract_strided_slice %get3A_14 {offsets = [0, 0, 0], sizes = [1, 1000, 128], strides = [1, 1, 1]} : vector<2x1000x128xf32> to vector<1x1000x128xf32>
    %squeeze3A_16 = vector.shape_cast %slice3A_15 : vector<1x1000x128xf32> to vector<1000x128xf32>
    %slice3A_17 = vector.extract_strided_slice %get3A_14 {offsets = [1, 0, 0], sizes = [1, 1000, 128], strides = [1, 1, 1]} : vector<2x1000x128xf32> to vector<1x1000x128xf32>
    %squeeze3A_18 = vector.shape_cast %slice3A_17 : vector<1x1000x128xf32> to vector<1000x128xf32>
    %add3A_19 = arith.addf %squeeze3A_16, %squeeze3A_18 : vector<1000x128xf32>
    %get3A_20 = arith.constant 0 : index
    %get3A_21 = arith.constant 0 : index
    %get3A_22 = vector.load %arg2[%get3A_20, %get3A_21] : memref<1000x128xf32, #tpu.memory_space<vmem>>, vector<1000x128xf32>
    %sub3A_23 = arith.subf %add3A_19, %get3A_22 : vector<1000x128xf32>
    %mul3A = vector.broadcast %div3A_10 : vector<1000x1xf32> to vector<1000x128xf32>
    %mul3A_24 = arith.mulf %sub3A_23, %mul3A : vector<1000x128xf32>
    %get3A_25 = arith.constant 0 : index
    %get3A_26 = arith.constant 0 : index
    %get3A_27 = vector.load %arg4[%get3A_25, %get3A_26] : memref<1x128xf32, #tpu.memory_space<vmem>>, vector<1x128xf32>
    %add3A_28 = vector.broadcast %get3A_27 : vector<1x128xf32> to vector<1000x128xf32>
    %add3A_29 = arith.addf %mul3A_24, %add3A_28 : vector<1000x128xf32>
    %get3A_30 = arith.constant 0 : index
    %get3A_31 = arith.constant 0 : index
    %get3A_32 = vector.load %arg5[%get3A_30, %get3A_31] : memref<1x128xf32, #tpu.memory_space<vmem>>, vector<1x128xf32>
    %mul3A_33 = arith.constant 0.999994993 : f32
    %mul3A_34 = vector.broadcast %mul3A_33 : f32 to vector<1x128xf32>
    %mul3A_35 = arith.mulf %mul3A_34, %get3A_32 : vector<1x128xf32>
    %mul3A_36 = vector.broadcast %mul3A_35 : vector<1x128xf32> to vector<1000x128xf32>
    %mul3A_37 = arith.mulf %add3A_29, %mul3A_36 : vector<1000x128xf32>
    %get3A_38 = arith.constant 0 : index
    %get3A_39 = arith.constant 0 : index
    %get3A_40 = vector.load %arg6[%get3A_38, %get3A_39] : memref<1x128xf32, #tpu.memory_space<vmem>>, vector<1x128xf32>
    %add3A_41 = vector.broadcast %get3A_40 : vector<1x128xf32> to vector<1000x128xf32>
    %add3A_42 = arith.addf %mul3A_37, %add3A_41 : vector<1000x128xf32>
    %gt3A = arith.constant 0.000000e+00 : f32
    %gt3A_43 = vector.broadcast %gt3A : f32 to vector<1000x128xf32>
    %gt3A_44 = arith.cmpf ogt, %add3A_42, %gt3A_43 : vector<1000x128xf32>
    %exp3A = math.exp %add3A_42 : vector<1000x128xf32>
    %sub3A_45 = arith.constant 1.000000e+00 : f32
    %sub3A_46 = vector.broadcast %sub3A_45 : f32 to vector<1000x128xf32>
    %sub3A_47 = arith.subf %exp3A, %sub3A_46 : vector<1000x128xf32>
    %select_n3A = arith.select %gt3A_44, %add3A_42, %sub3A_47 : vector<1000x128xi1>, vector<1000x128xf32>
    %get3A_48 = arith.constant 0 : index
    %get3A_49 = arith.constant 0 : index
    %get3A_50 = vector.load %arg7[%get3A_48, %get3A_49] : memref<128x128xf32, #tpu.memory_space<vmem>>, vector<128x128xf32>
    %dot_general3A = arith.constant dense<0.000000e+00> : vector<1000x128xf32>
    %dot_general3A_51 = tpu.matmul %select_n3A, %get3A_50, %dot_general3A {dimension_numbers = #tpu.dot_dimension_numbers<[1], [0], [0], [1], [0, 0, 1, 1], [], []>, precision = #tpu.contract_precision<fp32>, transpose_lhs_hint = false} : vector<1000x128xf32>, vector<128x128xf32>, vector<1000x128xf32> -> vector<1000x128xf32>
    %mul3A_52 = vector.broadcast %div3A_10 : vector<1000x1xf32> to vector<1000x128xf32>
    %mul3A_53 = arith.mulf %dot_general3A_51, %mul3A_52 : vector<1000x128xf32>
    %swap3A = arith.constant 0 : index
    %swap3A_54 = arith.constant 0 : index
    %swap3A_55 = vector.load %arg8[%swap3A, %swap3A_54] : memref<1000x128xf32, #tpu.memory_space<vmem>>, vector<1000x128xf32>
    tpu.vector_store %arg8[%swap3A, %swap3A_54], %mul3A_53 {strides = array<i32>} : memref<1000x128xf32, #tpu.memory_space<vmem>>, vector<1000x128xf32>,
    return
  }
  func.func @transform_0(%arg0: i32) -> (i32, i32, i32) {
    %c0_i32 = arith.constant 0 : i32
    %c0_i32_0 = arith.constant 0 : i32
    %c0_i32_1 = arith.constant 0 : i32
    return %c0_i32, %arg0, %c0_i32_0 : i32, i32, i32
  }
  func.func @transform_1(%arg0: i32) -> (i32, i32) {
    %c0_i32 = arith.constant 0 : i32
    %c0_i32_0 = arith.constant 0 : i32
    return %arg0, %c0_i32 : i32, i32
  }
  func.func @transform_2(%arg0: i32) -> (i32, i32, i32) {
    %c0_i32 = arith.constant 0 : i32
    %c0_i32_0 = arith.constant 0 : i32
    %c0_i32_1 = arith.constant 0 : i32
    return %c0_i32, %arg0, %c0_i32_0 : i32, i32, i32
  }
  func.func @transform_3(%arg0: i32) -> (i32, i32) {
    %c0_i32 = arith.constant 0 : i32
    %c0_i32_0 = arith.constant 0 : i32
    %c0_i32_1 = arith.constant 0 : i32
    return %c0_i32, %c0_i32_0 : i32, i32
  }
  func.func @transform_4(%arg0: i32) -> (i32, i32) {
    %c0_i32 = arith.constant 0 : i32
    %c0_i32_0 = arith.constant 0 : i32
    %c0_i32_1 = arith.constant 0 : i32
    return %c0_i32, %c0_i32_0 : i32, i32
  }
  func.func @transform_5(%arg0: i32) -> (i32, i32) {
    %c0_i32 = arith.constant 0 : i32
    %c0_i32_0 = arith.constant 0 : i32
    %c0_i32_1 = arith.constant 0 : i32
    return %c0_i32, %c0_i32_0 : i32, i32
  }
  func.func @transform_6(%arg0: i32) -> (i32, i32) {
    %c0_i32 = arith.constant 0 : i32
    %c0_i32_0 = arith.constant 0 : i32
    %c0_i32_1 = arith.constant 0 : i32
    return %c0_i32, %c0_i32_0 : i32, i32
  }
  func.func @transform_7(%arg0: i32) -> (i32, i32) {
    %c0_i32 = arith.constant 0 : i32
    %c0_i32_0 = arith.constant 0 : i32
    return %arg0, %c0_i32 : i32, i32
  }
}

module attributes {stable_mosaic.version = 14 : i64} {
  func.func @_mm1_body(%arg0: i32, %arg1: memref<1000x128xf32, #tpu.memory_space<vmem>>, %arg2: memref<128x128xf32, #tpu.memory_space<vmem>>, %arg3: memref<2x1000x128xf32, #tpu.memory_space<vmem>>, %arg4: memref<1000x128xf32, #tpu.memory_space<vmem>>) attributes {dimension_semantics = [#tpu.dimension_semantics<arbitrary>], iteration_bounds = array<i64: 10>, scalar_prefetch = 0 : i64, scratch_operands = 0 : i64, tpu.core_type = #tpu.core_type<tc>, window_params = [{transform_indices = @transform_0, window_bounds = array<i64: 1000, 128>}, {pipeline_mode = #tpu.pipeline_mode<synchronous>, transform_indices = @transform_1, window_bounds = array<i64: 128, 128>}, {transform_indices = @transform_2, window_bounds = array<i64: 2, 1000, 128>}, {transform_indices = @transform_3, window_bounds = array<i64: 1000, 128>}]} {
    %get3A = arith.constant 0 : index
    %get3A_0 = arith.constant 0 : index
    %get3A_1 = vector.load %arg1[%get3A, %get3A_0] : memref<1000x128xf32, #tpu.memory_space<vmem>>, vector<1000x128xf32>
    %get3A_2 = arith.constant 0 : index
    %get3A_3 = arith.constant 0 : index
    %get3A_4 = vector.load %arg2[%get3A_2, %get3A_3] : memref<128x128xf32, #tpu.memory_space<vmem>>, vector<128x128xf32>
    %dot_general3A = arith.constant dense<0.000000e+00> : vector<1000x128xf32>
    %dot_general3A_5 = tpu.matmul %get3A_1, %get3A_4, %dot_general3A {dimension_numbers = #tpu.dot_dimension_numbers<[1], [0], [0], [1], [0, 0, 1, 1], [], []>, precision = #tpu.contract_precision<fp32>, transpose_lhs_hint = false} : vector<1000x128xf32>, vector<128x128xf32>, vector<1000x128xf32> -> vector<1000x128xf32>
    %get3A_6 = arith.constant 0 : index
    %get3A_7 = arith.constant 0 : index
    %get3A_8 = arith.constant 0 : index
    %get3A_9 = vector.load %arg3[%get3A_6, %get3A_7, %get3A_8] : memref<2x1000x128xf32, #tpu.memory_space<vmem>>, vector<2x1000x128xf32>
    %slice3A = vector.extract_strided_slice %get3A_9 {offsets = [0, 0, 0], sizes = [1, 1000, 128], strides = [1, 1, 1]} : vector<2x1000x128xf32> to vector<1x1000x128xf32>
    %squeeze3A = vector.shape_cast %slice3A : vector<1x1000x128xf32> to vector<1000x128xf32>
    %slice3A_10 = vector.extract_strided_slice %squeeze3A {offsets = [0, 0], sizes = [1000, 1], strides = [1, 1]} : vector<1000x128xf32> to vector<1000x1xf32>
    %slice3A_11 = vector.extract_strided_slice %get3A_9 {offsets = [1, 0, 0], sizes = [1, 1000, 128], strides = [1, 1, 1]} : vector<2x1000x128xf32> to vector<1x1000x128xf32>
    %squeeze3A_12 = vector.shape_cast %slice3A_11 : vector<1x1000x128xf32> to vector<1000x128xf32>
    %slice3A_13 = vector.extract_strided_slice %squeeze3A_12 {offsets = [0, 0], sizes = [1000, 1], strides = [1, 1]} : vector<1000x128xf32> to vector<1000x1xf32>
    %add3A = arith.addf %slice3A_10, %slice3A_13 : vector<1000x1xf32>
    %sub3A = arith.constant 1.000000e+00 : f32
    %sub3A_14 = vector.broadcast %sub3A : f32 to vector<1000x1xf32>
    %sub3A_15 = arith.subf %add3A, %sub3A_14 : vector<1000x1xf32>
    %sqrt3A = math.sqrt %sub3A_15 : vector<1000x1xf32>
    %div3A = arith.constant 1.000000e+00 : f32
    %div3A_16 = vector.broadcast %div3A : f32 to vector<1000x1xf32>
    %div3A_17 = arith.divf %div3A_16, %sqrt3A : vector<1000x1xf32>
    %mul3A = vector.broadcast %div3A_17 : vector<1000x1xf32> to vector<1000x128xf32>
    %mul3A_18 = arith.mulf %dot_general3A_5, %mul3A : vector<1000x128xf32>
    %swap3A = arith.constant 0 : index
    %swap3A_19 = arith.constant 0 : index
    %swap3A_20 = vector.load %arg4[%swap3A, %swap3A_19] : memref<1000x128xf32, #tpu.memory_space<vmem>>, vector<1000x128xf32>
    tpu.vector_store %arg4[%swap3A, %swap3A_19], %mul3A_18 {strides = array<i32>} : memref<1000x128xf32, #tpu.memory_space<vmem>>, vector<1000x128xf32>,
    return
  }
  func.func @transform_0(%arg0: i32) -> (i32, i32) {
    %c0_i32 = arith.constant 0 : i32
    %c0_i32_0 = arith.constant 0 : i32
    return %arg0, %c0_i32 : i32, i32
  }
  func.func @transform_1(%arg0: i32) -> (i32, i32) {
    %c0_i32 = arith.constant 0 : i32
    %c0_i32_0 = arith.constant 0 : i32
    %c0_i32_1 = arith.constant 0 : i32
    return %c0_i32, %c0_i32_0 : i32, i32
  }
  func.func @transform_2(%arg0: i32) -> (i32, i32, i32) {
    %c0_i32 = arith.constant 0 : i32
    %c0_i32_0 = arith.constant 0 : i32
    %c0_i32_1 = arith.constant 0 : i32
    return %c0_i32, %arg0, %c0_i32_0 : i32, i32, i32
  }
  func.func @transform_3(%arg0: i32) -> (i32, i32) {
    %c0_i32 = arith.constant 0 : i32
    %c0_i32_0 = arith.constant 0 : i32
    return %arg0, %c0_i32 : i32, i32
  }
}

module attributes {stable_mosaic.version = 14 : i64} {
  func.func @_out_body(%arg0: i32, %arg1: memref<2x1000x128xf32, #tpu.memory_space<vmem>>, %arg2: memref<1000x128xf32, #tpu.memory_space<vmem>>, %arg3: memref<2x1000x128xf32, #tpu.memory_space<vmem>>, %arg4: memref<1x128xf32, #tpu.memory_space<vmem>>, %arg5: memref<1x128xf32, #tpu.memory_space<vmem>>, %arg6: memref<1x128xf32, #tpu.memory_space<vmem>>, %arg7: memref<128x64xf32, #tpu.memory_space<vmem>>, %arg8: memref<1x64xf32, #tpu.memory_space<vmem>>, %arg9: memref<1000x64xf32, #tpu.memory_space<vmem>>) attributes {dimension_semantics = [#tpu.dimension_semantics<arbitrary>], iteration_bounds = array<i64: 10>, scalar_prefetch = 0 : i64, scratch_operands = 0 : i64, tpu.core_type = #tpu.core_type<tc>, window_params = [{transform_indices = @transform_0, window_bounds = array<i64: 2, 1000, 128>}, {transform_indices = @transform_1, window_bounds = array<i64: 1000, 128>}, {transform_indices = @transform_2, window_bounds = array<i64: 2, 1000, 128>}, {pipeline_mode = #tpu.pipeline_mode<synchronous>, transform_indices = @transform_3, window_bounds = array<i64: 1, 128>}, {pipeline_mode = #tpu.pipeline_mode<synchronous>, transform_indices = @transform_4, window_bounds = array<i64: 1, 128>}, {pipeline_mode = #tpu.pipeline_mode<synchronous>, transform_indices = @transform_5, window_bounds = array<i64: 1, 128>}, {pipeline_mode = #tpu.pipeline_mode<synchronous>, transform_indices = @transform_6, window_bounds = array<i64: 128, 64>}, {pipeline_mode = #tpu.pipeline_mode<synchronous>, transform_indices = @transform_7, window_bounds = array<i64: 1, 64>}, {transform_indices = @transform_8, window_bounds = array<i64: 1000, 64>}]} {
    %get3A = arith.constant 0 : index
    %get3A_0 = arith.constant 0 : index
    %get3A_1 = arith.constant 0 : index
    %get3A_2 = vector.load %arg3[%get3A, %get3A_0, %get3A_1] : memref<2x1000x128xf32, #tpu.memory_space<vmem>>, vector<2x1000x128xf32>
    %slice3A = vector.extract_strided_slice %get3A_2 {offsets = [0, 0, 0], sizes = [1, 1000, 128], strides = [1, 1, 1]} : vector<2x1000x128xf32> to vector<1x1000x128xf32>
    %squeeze3A = vector.shape_cast %slice3A : vector<1x1000x128xf32> to vector<1000x128xf32>
    %slice3A_3 = vector.extract_strided_slice %squeeze3A {offsets = [0, 0], sizes = [1000, 1], strides = [1, 1]} : vector<1000x128xf32> to vector<1000x1xf32>
    %slice3A_4 = vector.extract_strided_slice %get3A_2 {offsets = [1, 0, 0], sizes = [1, 1000, 128], strides = [1, 1, 1]} : vector<2x1000x128xf32> to vector<1x1000x128xf32>
    %squeeze3A_5 = vector.shape_cast %slice3A_4 : vector<1x1000x128xf32> to vector<1000x128xf32>
    %slice3A_6 = vector.extract_strided_slice %squeeze3A_5 {offsets = [0, 0], sizes = [1000, 1], strides = [1, 1]} : vector<1000x128xf32> to vector<1000x1xf32>
    %add3A = arith.addf %slice3A_3, %slice3A_6 : vector<1000x1xf32>
    %sub3A = arith.constant 1.000000e+00 : f32
    %sub3A_7 = vector.broadcast %sub3A : f32 to vector<1000x1xf32>
    %sub3A_8 = arith.subf %add3A, %sub3A_7 : vector<1000x1xf32>
    %sqrt3A = math.sqrt %sub3A_8 : vector<1000x1xf32>
    %div3A = arith.constant 1.000000e+00 : f32
    %div3A_9 = vector.broadcast %div3A : f32 to vector<1000x1xf32>
    %div3A_10 = arith.divf %div3A_9, %sqrt3A : vector<1000x1xf32>
    %get3A_11 = arith.constant 0 : index
    %get3A_12 = arith.constant 0 : index
    %get3A_13 = arith.constant 0 : index
    %get3A_14 = vector.load %arg1[%get3A_11, %get3A_12, %get3A_13] : memref<2x1000x128xf32, #tpu.memory_space<vmem>>, vector<2x1000x128xf32>
    %slice3A_15 = vector.extract_strided_slice %get3A_14 {offsets = [0, 0, 0], sizes = [1, 1000, 128], strides = [1, 1, 1]} : vector<2x1000x128xf32> to vector<1x1000x128xf32>
    %squeeze3A_16 = vector.shape_cast %slice3A_15 : vector<1x1000x128xf32> to vector<1000x128xf32>
    %slice3A_17 = vector.extract_strided_slice %get3A_14 {offsets = [1, 0, 0], sizes = [1, 1000, 128], strides = [1, 1, 1]} : vector<2x1000x128xf32> to vector<1x1000x128xf32>
    %squeeze3A_18 = vector.shape_cast %slice3A_17 : vector<1x1000x128xf32> to vector<1000x128xf32>
    %add3A_19 = arith.addf %squeeze3A_16, %squeeze3A_18 : vector<1000x128xf32>
    %get3A_20 = arith.constant 0 : index
    %get3A_21 = arith.constant 0 : index
    %get3A_22 = vector.load %arg2[%get3A_20, %get3A_21] : memref<1000x128xf32, #tpu.memory_space<vmem>>, vector<1000x128xf32>
    %sub3A_23 = arith.subf %add3A_19, %get3A_22 : vector<1000x128xf32>
    %mul3A = vector.broadcast %div3A_10 : vector<1000x1xf32> to vector<1000x128xf32>
    %mul3A_24 = arith.mulf %sub3A_23, %mul3A : vector<1000x128xf32>
    %get3A_25 = arith.constant 0 : index
    %get3A_26 = arith.constant 0 : index
    %get3A_27 = vector.load %arg4[%get3A_25, %get3A_26] : memref<1x128xf32, #tpu.memory_space<vmem>>, vector<1x128xf32>
    %add3A_28 = vector.broadcast %get3A_27 : vector<1x128xf32> to vector<1000x128xf32>
    %add3A_29 = arith.addf %mul3A_24, %add3A_28 : vector<1000x128xf32>
    %get3A_30 = arith.constant 0 : index
    %get3A_31 = arith.constant 0 : index
    %get3A_32 = vector.load %arg5[%get3A_30, %get3A_31] : memref<1x128xf32, #tpu.memory_space<vmem>>, vector<1x128xf32>
    %mul3A_33 = arith.constant 0.999994993 : f32
    %mul3A_34 = vector.broadcast %mul3A_33 : f32 to vector<1x128xf32>
    %mul3A_35 = arith.mulf %mul3A_34, %get3A_32 : vector<1x128xf32>
    %mul3A_36 = vector.broadcast %mul3A_35 : vector<1x128xf32> to vector<1000x128xf32>
    %mul3A_37 = arith.mulf %add3A_29, %mul3A_36 : vector<1000x128xf32>
    %get3A_38 = arith.constant 0 : index
    %get3A_39 = arith.constant 0 : index
    %get3A_40 = vector.load %arg6[%get3A_38, %get3A_39] : memref<1x128xf32, #tpu.memory_space<vmem>>, vector<1x128xf32>
    %add3A_41 = vector.broadcast %get3A_40 : vector<1x128xf32> to vector<1000x128xf32>
    %add3A_42 = arith.addf %mul3A_37, %add3A_41 : vector<1000x128xf32>
    %gt3A = arith.constant 0.000000e+00 : f32
    %gt3A_43 = vector.broadcast %gt3A : f32 to vector<1000x128xf32>
    %gt3A_44 = arith.cmpf ogt, %add3A_42, %gt3A_43 : vector<1000x128xf32>
    %exp3A = math.exp %add3A_42 : vector<1000x128xf32>
    %sub3A_45 = arith.constant 1.000000e+00 : f32
    %sub3A_46 = vector.broadcast %sub3A_45 : f32 to vector<1000x128xf32>
    %sub3A_47 = arith.subf %exp3A, %sub3A_46 : vector<1000x128xf32>
    %select_n3A = arith.select %gt3A_44, %add3A_42, %sub3A_47 : vector<1000x128xi1>, vector<1000x128xf32>
    %get3A_48 = arith.constant 0 : index
    %get3A_49 = arith.constant 0 : index
    %get3A_50 = vector.load %arg7[%get3A_48, %get3A_49] : memref<128x64xf32, #tpu.memory_space<vmem>>, vector<128x64xf32>
    %dot_general3A = arith.constant dense<0.000000e+00> : vector<1000x64xf32>
    %dot_general3A_51 = tpu.matmul %select_n3A, %get3A_50, %dot_general3A {dimension_numbers = #tpu.dot_dimension_numbers<[1], [0], [0], [1], [0, 0, 1, 1], [], []>, precision = #tpu.contract_precision<fp32>, transpose_lhs_hint = false} : vector<1000x128xf32>, vector<128x64xf32>, vector<1000x64xf32> -> vector<1000x64xf32>
    %get3A_52 = arith.constant 0 : index
    %get3A_53 = arith.constant 0 : index
    %get3A_54 = vector.load %arg8[%get3A_52, %get3A_53] : memref<1x64xf32, #tpu.memory_space<vmem>>, vector<1x64xf32>
    %add3A_55 = vector.broadcast %get3A_54 : vector<1x64xf32> to vector<1000x64xf32>
    %add3A_56 = arith.addf %dot_general3A_51, %add3A_55 : vector<1000x64xf32>
    %swap3A = arith.constant 0 : index
    %swap3A_57 = arith.constant 0 : index
    %swap3A_58 = vector.load %arg9[%swap3A, %swap3A_57] : memref<1000x64xf32, #tpu.memory_space<vmem>>, vector<1000x64xf32>
    tpu.vector_store %arg9[%swap3A, %swap3A_57], %add3A_56 {strides = array<i32>} : memref<1000x64xf32, #tpu.memory_space<vmem>>, vector<1000x64xf32>,
    return
  }
  func.func @transform_0(%arg0: i32) -> (i32, i32, i32) {
    %c0_i32 = arith.constant 0 : i32
    %c0_i32_0 = arith.constant 0 : i32
    %c0_i32_1 = arith.constant 0 : i32
    return %c0_i32, %arg0, %c0_i32_0 : i32, i32, i32
  }
  func.func @transform_1(%arg0: i32) -> (i32, i32) {
    %c0_i32 = arith.constant 0 : i32
    %c0_i32_0 = arith.constant 0 : i32
    return %arg0, %c0_i32 : i32, i32
  }
  func.func @transform_2(%arg0: i32) -> (i32, i32, i32) {
    %c0_i32 = arith.constant 0 : i32
    %c0_i32_0 = arith.constant 0 : i32
    %c0_i32_1 = arith.constant 0 : i32
    return %c0_i32, %arg0, %c0_i32_0 : i32, i32, i32
  }
  func.func @transform_3(%arg0: i32) -> (i32, i32) {
    %c0_i32 = arith.constant 0 : i32
    %c0_i32_0 = arith.constant 0 : i32
    %c0_i32_1 = arith.constant 0 : i32
    return %c0_i32, %c0_i32_0 : i32, i32
  }
  func.func @transform_4(%arg0: i32) -> (i32, i32) {
    %c0_i32 = arith.constant 0 : i32
    %c0_i32_0 = arith.constant 0 : i32
    %c0_i32_1 = arith.constant 0 : i32
    return %c0_i32, %c0_i32_0 : i32, i32
  }
  func.func @transform_5(%arg0: i32) -> (i32, i32) {
    %c0_i32 = arith.constant 0 : i32
    %c0_i32_0 = arith.constant 0 : i32
    %c0_i32_1 = arith.constant 0 : i32
    return %c0_i32, %c0_i32_0 : i32, i32
  }
  func.func @transform_6(%arg0: i32) -> (i32, i32) {
    %c0_i32 = arith.constant 0 : i32
    %c0_i32_0 = arith.constant 0 : i32
    %c0_i32_1 = arith.constant 0 : i32
    return %c0_i32, %c0_i32_0 : i32, i32
  }
  func.func @transform_7(%arg0: i32) -> (i32, i32) {
    %c0_i32 = arith.constant 0 : i32
    %c0_i32_0 = arith.constant 0 : i32
    %c0_i32_1 = arith.constant 0 : i32
    return %c0_i32, %c0_i32_0 : i32, i32
  }
  func.func @transform_8(%arg0: i32) -> (i32, i32) {
    %c0_i32 = arith.constant 0 : i32
    %c0_i32_0 = arith.constant 0 : i32
    return %arg0, %c0_i32 : i32, i32
  }
}

</mosaic_0001>

<sc_bundles>
// kernel: kernel.11.cloned.1.call-start
scs
__scs_entry_jumppad:
0x0: {  	(pc) =	sbr.rel $0x88, $3  }
0x1: {  	(tag) =	ssettag $0x0;
	lr =	simm.s32 $0x1  }
0x2: {  	[smem:$0x3F95] =	sst lr;
	_ =	strace $0xD0000000  }
0x3: {  	_ = 	snop  }
0x4: {  	_ = 	snop  }
0x5: {  	_ = 	snop  }
0x6: {  	_ = 	snop  }
0x7: {  	_ = 	snop  }
__scs_overlays_trampoline_lowered:
0x8: {  	[smem:$0x3FA4] =	sst s0  }
0x9: {  	[smem:$0x3FA5] =	sst s1  }
0xa: {  	[smem:$0x3FA6] =	sst s2  }
0xb: {  	[smem:$0x3FA7] =	sst s3  }
0xc: {  	[smem:$0x3FA8] =	sst s4  }
0xd: {  	[smem:$0x3FA9] =	sst s5  }
0xe: {  	[smem:$0x3FAA] =	sst s6  }
0xf: {  	[smem:$0x3FAB] =	sst s7  }
0x10: {  	[smem:$0x3FAC] =	sst s8  }
0x11: {  	[smem:$0x3FAD] =	sst s9;
	s0 =	simm.s32 @!p0 $0x0  }
0x12: {  	s1 =	sld [smem:$0x3F93];
	s0 =	simm.s32 @p0 $0x1  }
0x13: {  	[smem:$0x3FAE] =	sst s0;
	s0 =	simm.s32 @!p1 $0x0  }
0x14: {  	s2 =	sld [smem:$0x3F92];
	s0 =	simm.s32 @p1 $0x1  }
0x15: {  	[smem:$0x3FAF] =	sst s0;
	s0 =	simm.s32 @!p2 $0x0  }
0x16: {  	s3 =	sld [smem:$0x3FDB];
	s0 =	simm.s32 @p2 $0x1  }
0x17: {  	s4 =	simm.s32 $0x1BF5;
	[smem:$0x3FB1] =	sst s0  }
0x18: {  	s0 =	sld [smem:$0x3F94];
	_ =	swait.ge [sflag:s4], $0x0  }
0x19: {  	s7 =	sld [smem:$0x3F95]  }
0x1a: {  	s8 =	sadd.s32 $0xFFFFE003, lr  }
0x1b: {  	s9 =	sadd.s32 $0xFFFFFEF7, lr;
	s5 =	simm.s32 $0xFFFFFFFF;
	p2 =	slt.u32 s8, $0xFFFFF086  }
0x1c: {  	p1 =	slt.u32 s9, $0xF7A;
	s5 =	simm.s32 @!p2 $0x0  }
0x1d: {  	s5 =	simm.s32 @p1 $0x1;
	p0 =	seq.s32 s7, s2  }
0x1e: {  	s7 =	smul.u32 @!p0 $0xF7A, s2;
	p2 =	seq.s32 @!p0 s5, $0x0  }
0x1f: {  	s9 =	smul.u32 $0xF7A, s1;
	s8 =	simm.s32 @!p0 $0x1BF5;
	p2 =	por !p2, p0  }
0x20: {  	[sflag:s8] =	ssyncset.s32 @!p0 $0xFFFFF086;
	s6 =	sadd.s32 @!p0 s3, s7;
	s7 =	simm.s32 @!p0 $0x108  }
0x21: {  	s3 =	sadd.s32 s3, s9;
	s6 =	sadd.s32 @!p0 $0x88, s6;
	s7 =	simm.s32 @p2 $0x1082  }
0x22: {  	[simem:s7], [sflag:s8] =	dma.local @!p0 [hbm:s6], $0xF7A  }
0x23: {  	s9 =	sor.u32 $0xD0000000, s2;
	s6 =	simm.s32 $0x108;
	_ =	swait.ge @!p0 [sflag:s8], $0x0  }
0x24: {  	s3 =	sadd.s32 $0x88, s3;
	s6 =	simm.s32 @!p1 $0x1082;
	[sflag:s4] =	ssyncset.s32 $0xFFFFF086  }
0x25: {  	[simem:s6], [sflag:s4] =	dma.local [hbm:s3], $0xF7A  }
0x26: {  	[smem:$0x3F95] =	sst s1;
	(tag) =	ssettag s2;
	_ =	strace s9  }
0x27: {  	s1 =	sld [smem:$0x3FA5]  }
0x28: {  	s2 =	sld [smem:$0x3FA6]  }
0x29: {  	s4 =	sld [smem:$0x3FA8]  }
0x2a: {  	p0 =	seq.s32 s5, $0x0;
	s5 =	sld [smem:$0x3FA9]  }
0x2b: {  	s6 =	sld [smem:$0x3FAA]  }
0x2c: {  	s7 =	sld [smem:$0x3FAB]  }
0x2d: {  	s3 =	simm.s32 $0x108;
	s8 =	sld [smem:$0x3FAC]  }
0x2e: {  	s3 =	simm.s32 @!p0 $0x1082;
	s9 =	sld [smem:$0x3FAD]  }
0x2f: {  	lr =	sadd.s32 s0, s3;
	s0 =	sld [smem:$0x3FA4]  }
0x30: {  	s3 =	sld [smem:$0x3FA7]  }
0x31: {  	[smem:$0x3FB0] =	sst s10  }
0x32: {  	s10 =	sld [smem:$0x3FAE];
	_ =	sdelay $0x3  }
0x33: {  	p0 =	seq.s32 s10, $0x1;
	s10 =	sld [smem:$0x3FB0];
	_ =	sdelay $0x3  }
0x34: {  	[smem:$0x3FB0] =	sst s10  }
0x35: {  	s10 =	sld [smem:$0x3FAF];
	_ =	sdelay $0x3  }
0x36: {  	p1 =	seq.s32 s10, $0x1;
	s10 =	sld [smem:$0x3FB0];
	_ =	sdelay $0x3  }
0x37: {  	[smem:$0x3FB0] =	sst s10  }
0x38: {  	s10 =	sld [smem:$0x3FB1]  }
0x39: {  	_ = 	snop;
	(pc) =	sbr.ind lr, $3  }
0x3a: {  	_ = 	snop  }
0x3b: {  	_ = 	snop  }
0x3c: {  	p2 =	seq.s32 s10, $0x1;
	s10 =	sld [smem:$0x3FB0]  }
0x3d: {  	_ =	shalt  }
0x3e: {  	_ =	shalt  }
0x3f: {  	_ =	shalt  }
0x40: {  	_ =	shalt  }
0x41: {  	_ =	shalt  }
0x42: {  	_ =	shalt  }
0x43: {  	_ =	shalt  }
0x44: {  	_ =	shalt  }
0x45: {  	_ =	shalt  }
0x46: {  	_ =	shalt  }
0x47: {  	_ =	shalt  }
0x48: {  	_ =	shalt  }
0x49: {  	_ =	shalt  }
0x4a: {  	_ =	shalt  }
0x4b: {  	_ =	shalt  }
0x4c: {  	_ =	shalt  }
0x4d: {  	_ =	shalt  }
0x4e: {  	_ =	shalt  }
0x4f: {  	_ =	shalt  }
0x50: {  	_ =	shalt  }
0x51: {  	_ =	shalt  }
0x52: {  	_ =	shalt  }
0x53: {  	_ =	shalt  }
0x54: {  	_ =	shalt  }
0x55: {  	_ =	shalt  }
0x56: {  	_ =	shalt  }
0x57: {  	_ =	shalt  }
0x58: {  	_ =	shalt  }
0x59: {  	_ =	shalt  }
0x5a: {  	_ =	shalt  }
0x5b: {  	_ =	shalt  }
0x5c: {  	_ =	shalt  }
0x5d: {  	_ =	shalt  }
0x5e: {  	_ =	shalt  }
0x5f: {  	_ =	shalt  }
0x60: {  	_ =	shalt  }
0x61: {  	_ =	shalt  }
0x62: {  	_ =	shalt  }
0x63: {  	_ =	shalt  }
0x64: {  	_ =	shalt  }
0x65: {  	_ =	shalt  }
0x66: {  	_ =	shalt  }
0x67: {  	_ =	shalt  }
0x68: {  	_ =	shalt  }
0x69: {  	_ =	shalt  }
0x6a: {  	_ =	shalt  }
0x6b: {  	_ =	shalt  }
0x6c: {  	_ =	shalt  }
0x6d: {  	_ =	shalt  }
0x6e: {  	_ =	shalt  }
0x6f: {  	_ =	shalt  }
0x70: {  	_ =	shalt  }
0x71: {  	_ =	shalt  }
0x72: {  	_ =	shalt  }
0x73: {  	_ =	shalt  }
0x74: {  	_ =	shalt  }
0x75: {  	_ =	shalt  }
0x76: {  	_ =	shalt  }
0x77: {  	_ =	shalt  }
0x78: {  	_ =	shalt  }
0x79: {  	_ =	shalt  }
0x7a: {  	_ =	shalt  }
0x7b: {  	_ =	shalt  }
0x7c: {  	_ =	shalt  }
0x7d: {  	_ =	shalt  }
0x7e: {  	_ =	shalt  }
0x7f: {  	_ =	shalt  }
0x80: {  	_ =	shalt  }
0x81: {  	_ =	shalt  }
0x82: {  	_ =	shalt  }
0x83: {  	_ =	shalt  }
0x84: {  	_ =	shalt  }
0x85: {  	_ =	shalt  }
0x86: {  	_ =	shalt  }
0x87: {  	_ =	shalt  }
.Lfunc_end0:
.L_simem_size_0:
called_computation.1_lowered:
.L_overlay_start_0:
0x88: {  	s2 =	sld [smem:$0x3FD9]  }
0x89: {  	s3 =	sld [smem:$0x3FFE];
	_ =	sdelay $0x1  }
0x8a: {  	s1 =	srdreg.scid  }
0x8b: {  	s0 =	sand.u32 $0x1, s1  }
0x8c: {  	s17 =	sshll.u32 s0, $0xA;
	s2 =	sadd.s32 s3, s2  }
0x8d: {  	s2 =	sadd.s32 s2, s17  }
0x8e: {  	[smem:$0x3FBC] =	sst s2  }
0x8f: {  	_ = 	snop  }
0x90: {  	s2 =	sld [smem:$0x3FD0];
	(tm) =	ssettm $0x1  }
0x91: {  	s18 =	sld [smem:$0x3FFB];
	_ =	sdelay $0x3  }
0x92: {  	_ =	strace s18  }
0x93: {  	s3 =	sld [smem:$0x3FFC];
	_ =	sdelay $0x3  }
0x94: {  	_ =	strace s3  }
0x95: {  	s3 =	sld [smem:$0x3FFD];
	_ =	sdelay $0x3  }
0x96: {  	_ =	strace s3  }
0x97: {  	_ =	strace $0x8FFFFFFF  }
0x98: {  	s19 =	sld [smem:$0x3FDB];
	_ =	sdelay $0x1  }
0x99: {  	s4 =	simm.s32 $_scs_section_size  }
0x9a: {  	s5 =	simm.s32 $_size__tile_overlayer_lowered;
	s6 =	simm.s32 $_tile_overlayer_lowered  }
0x9b: {  	s22 =	simm.s32 $0x1BFF;
	s21 =	sshll.u32 s6, $0x1;
	s3 =	sadd.s32 s4, s19  }
0x9c: {  	s7 =	simm.s32 $0x0;
	s20 =	sshll.u32 s5, $0x1;
	s5 =	sadd.s32 s21, s3  }
0x9d: {  	[timem:s7], [sflag:s22] =	dma.local [hbm:s5], s20  }
0x9e: {  	_ =	swait.ge [sflag:s22], s20  }
0x9f: {  	s4 =	ssub.s32 $0x0, s20;
	[sflag:s22] =	ssyncset.done $0x0  }
0xa0: {  	[sflag:s22] =	ssyncadd.s32 s4;
	_ =	sdelay $0x1  }
0xa1: {  	s23 =	simm.s32 $0x1B8B  }
0xa2: {  	_ =	swait.ge [sflag:s23], $0x1  }
0xa3: {  	[sflag:s23] =	ssyncset.done $0x0  }
0xa4: {  	s25 =	simm.s32 $0x1B8E;
	s24 =	sld [smem:$0x3FFE];
	[sflag:s23] =	ssyncadd.s32 $0xFFFFFFFF  }
0xa5: {  	s26 =	simm.s32 $execute0_lowered;
	[smem:$0x3FD2] =	sst s25  }
0xa6: {  	s5 =	sshll.u32 s26, $0x1;
	_ =	strace $0x80000049;
	[dreg:$0x1] =	wrdreg $0xFFFFFFFF  }
0xa7: {  	s28 =	simm.s32 $_size_execute0_lowered;
	s3 =	sadd.s32 s3, s5;
	[dreg:$0x0] =	wrdreg $0x0  }
0xa8: {  	s5 =	sshll.u32 s28, $0x1;
	[dreg:$0x2] =	wrdreg s3  }
0xa9: {  	[dreg:$0x3] =	wrdreg s5  }
0xaa: {  	[dreg:$0x4] =	wrdreg $0xC0  }
0xab: {  	_ =	task [dreg:s7], $0x5FFFF  }
0xac: {  	[dreg:$0x1] =	wrdreg $0xFFFFFFFF  }
0xad: {  	[dreg:$0x0] =	wrdreg $0x60  }
0xae: {  	[dreg:$0x2] =	wrdreg s24  }
0xaf: {  	[dreg:$0x3] =	wrdreg s2  }
0xb0: {  	[dreg:$0x4] =	wrdreg $0xB1000  }
0xb1: {  	[dreg:$0x5] =	wrdreg $0x9  }
0xb2: {  	_ =	task.clear_ibuf [dreg:s7], $0x6FFFF;
	_ =	strace $0x90000049  }
0xb3: {  	s29 =	simm.s32 $0x9;
	_ =	strace $0x8000004B  }
0xb4: {  	_ =	swait.ge [sflag:s29], $0x1  }
0xb5: {  	[sflag:s29] =	ssyncadd.s32 $0xFFFFFFFF  }
0xb6: {  	_ =	strace $0x9000004B  }
0xb7: {  	_ =	sfence  }
0xb8: {  	s30 =	sld [smem:$0x0];
	_ =	sdelay $0x2  }
0xb9: {  	s31 =	sshll.u32 s1, $0xD;
	s1 =	sshrl.u32 s1, $0x2  }
0xba: {  	s3 =	sand.u32 $0x4000, s31;
	s1 =	sadd.s32 s1, s30  }
0xbb: {  	s0 =	sor.u32 s3, s0;
	s1 =	sshll.u32 s1, $0x11  }
0xbc: {  	s0 =	sor.u32 s1, s0  }
0xbd: {  	s0 =	sadd.s32 $0x8F2B, s0  }
0xbe: {  	[sflag:s0] =	ssyncadd.remote.s32 $0x1  }
0xbf: {  	_ =	sfence.sel $0xFFFF  }
0xc0: {  	[dreg:$0x0] =	wrdreg $0xFFFFFFFF;
	(pc) =	sbr.abs _section_cstart, $3  }
0xc1: {  	[dreg:$0x1] =	wrdreg $0xFFFFFFFF  }
0xc2: {  	_ =	task.clear_ibuf [dreg:s7], $0x2FFFF;
	_ =	strace $0x9FFFFFFF  }
0xc3: {  	(tm) =	ssettm $0x7FFFFFFF  }
tec
execute0_lowered:
.L_overlay_start_1:
0x0: {  	(tag) =	ssettag $0x1  }
0x1: {  	s0 =	rddreg [dreg:$0x0]  }
0x2: {  	s3 =	rddreg [dreg:$0x1]  }
0x3: {  	s1 =	rddreg [dreg:$0x2];
	s2 =	simm.s32 $0x0  }
0x4: {  	s5 =	srdreg.scid;
	s18 =	stileid.u32;
	s28 =	simm.s32 $0x6900  }
0x5: {  	s29 =	simm.s32 $0x2;
	s30 =	simm.s32 $0x4;
	s31 =	simm.s32 $0xA900  }
0x6: {  	[smem:$0x7FF] =	sst s2;
	s4 =	sadd.s32 $0xD200, s0;
	s8 =	smul.u32 $0x4E000, s18  }
0x7: {  	s6 =	sand.u32 $0x1, s5;
	s5 =	sadd.s32 $0x3400, s0;
	s11 =	smul.u32 $0x13800, s18  }
0x8: {  	s12 =	sadd.s32 $0x82600, s0;
	s20 =	sshll.u32 s18, $0x6;
	s0 =	sadd.s32 $0x34200, s0  }
0x9: {  	s22 =	smul.u32 $0x2710, s18;
	p0 =	sne.s32 s18, $0xF;
	_ =	strace $0x8000004A  }
0xa: {  	s7 =	ssub.s32 $0x2, s6;
	s10 =	sshll.u32 s6, $0x4;
	s13 =	smul.u32 $0x138800, s6  }
0xb: {  	[dreg:$0x5] =	wrdreg s0;
	s6 =	smul.u32 $0x27100, s6;
	s9 =	sshrl.u32 s7, $0x1  }
0xc: {  	s14 =	sor.u32 s18, s10;
	s15 =	sshrl.u32 s8, $0x2;
	s16 =	sshrl.u32 s11, $0x3  }
0xd: {  	s8 =	sadd.s32 $0x138000, s1;
	s9 =	ssub.s32 s7, s9;
	s10 =	smul.u32 $0x2710, s14  }
0xe: {  	s17 =	sadd.s32 s15, s1;
	s19 =	sadd.s32 s4, s16;
	s7 =	sor.u32 $0x1C05, s20  }
0xf: {  	s24 =	sadd.s32 s11, s13;
	s25 =	sshrl.u32 s13, $0x3;
	s0 =	sadd.s32 s22, s6  }
0x10: {  	s20 =	sshrl.u32 @!p0 s8, $0x3;
	s22 =	simm.s32 $0x2900;
	s6 =	simm.s32 $0x0  }
0x11: {  	[dreg:$0x4] =	wrdreg s19;
	s11 =	sadd.s32 s12, s25;
	s26 =	sadd.s32 $0x80, s0  }
0x12: {  	s14 =	smax.u32 s9, $0x1;
	s18 =	sshrl.u32 s17, $0x3;
	s19 =	simm.s32 $0x5  }
0x13: {  	s25 =	simm.s32 $0x2800;
	s21 =	sshrl.u32 s10, $0x3;
	s13 =	sadd.s32 $0x27000, s11  }
0x14: {  	s11 =	sadd.s32 $0x100, s0;
	s0 =	simm.s32 $0x2880;
	s3 =	sadd.s32 s3, s21  }
0x15: {  	s10 =	sadd.s32 s5, s21;
	s21 =	simm.s32 $0x2780;
	[dreg:$0x6] =	wrdreg s3  }
0x16: {  	s23 =	sadd.s32 $0x4E0, s10;
	s3 =	sshrl.u32 s24, $0x3;
	s15 =	sadd.s32 $0x4D0, s10  }
0x17: {  	s24 =	simm.s32 $0x3;
	[dreg:$0x7] =	wrdreg s23;
	s3 =	sadd.s32 s12, s3  }
0x18: {  	s23 =	simm.s32 $0x1;
	[dreg:$0x8] =	wrdreg s3;
	s3 =	sshrl.u32 s26, $0x3  }
0x19: {  	s26 =	simm.s32 $0x80;
	s16 =	sadd.s32 s3, s5;
	s3 =	simm.s32 $0x10  }
.LBB2_1:
0x1a: {  	s8 =	rddreg [dreg:$0x4]  }
0x1b: {  	[spmem:s18], [sflag:s7] =	dma.local [hbm:s8], $0x2700  }
0x1c: {  	_ =	swait.ge [sflag:s19], $0x2700  }
0x1d: {  	[sflag:s19] =	ssyncset.done $0x0  }
0x1e: {  	s8 =	rddreg [dreg:$0x5];
	[sflag:s19] =	ssyncadd.s32 $0xFFFFD900  }
0x1f: {  	[spmem:s20], [sflag:s7] =	dma.local @!p0 [hbm:s8], $0x100  }
0x20: {  	s8 =	simm.s32 @!p0 $0x5  }
0x21: {  	_ =	swait.ge @!p0 [sflag:s8], $0x100  }
0x22: {  	[sflag:s8] =	ssyncset.done @!p0 $0x0  }
0x23: {  	s17 =	rddreg [dreg:$0x6];
	[sflag:s8] =	ssyncadd.s32 @!p0 $0xFFFFFF00  }
0x24: {  	[tilespmem:s2], [sflag:$0x5] =	stream.linear.gather [hbm4b:s17+s2], $0x2710, $0x38;
	[tilespmem:$0x1E980] =	vst v63  }
0x25: {  	_ =	swait.ge [sflag:s19], $0x2710  }
0x26: {  	[sflag:s19] =	ssyncset.done $0x0  }
0x27: {  	[sflag:s19] =	ssyncadd.s32 $0xFFFFD8F0  }
0x28: {  	[bflag:$0x0] =	sbarrier.arrive $0xFFFF  }
0x29: {  	[tilespmem:s21], [sflag:$0x1] =	stream.linear.gather [hbm4b:s10+s2], $0x80, $0x38;
	[tilespmem:$0x1E980] =	vst v63  }
0x2a: {  	_ = 	snop  }
0x2b: {  	[tilespmem:s22], [sflag:$0x3] =	stream.indirect.gather [hbm4b:s4+s26], $0x80, s2, s26, $0xb8;
	[tilespmem:$0x1E980] =	vst v63  }
0x2c: {  	_ =	swait.ge [sflag:s23], $0x80  }
0x2d: {  	[sflag:s23] =	ssyncset.done $0x0  }
0x2e: {  	[sflag:s23] =	ssyncadd.s32 $0xFFFFFF80  }
0x2f: {  	_ =	swait.ge [sflag:s24], $0x4000  }
0x30: {  	[sflag:s24] =	ssyncset.done $0x0  }
0x31: {  	s9 =	sadd.s32 $0x0, s16;
	[sflag:s24] =	ssyncadd.s32 $0xFFFFC000  }
0x32: {  	[tilespmem:s25], [sflag:$0x2] =	stream.linear.gather [hbm4b:s9+s2], $0x80, $0x38;
	[tilespmem:$0x1E980] =	vst v63  }
0x33: {  	_ = 	snop  }
0x34: {  	[tilespmem:s28], [sflag:$0x4] =	stream.indirect.gather [hbm4b:s4+s26], $0x80, s26, s26, $0xb8;
	[tilespmem:$0x1E980] =	vst v63  }
0x35: {  	_ = 	snop  }
0x36: {  	[spmem:s1] =	stream.indirect.scatter.add.f32 [tilespmem:s22], [sflag:$0x5], $0x80, s21, s26, $0xb8;
	[tilespmem:$0x1E980] =	vst v63  }
0x37: {  	_ =	swait.ge [sflag:s19], $0x4000  }
0x38: {  	[sflag:s19] =	ssyncset.done $0x0  }
0x39: {  	[sflag:s19] =	ssyncadd.s32 $0xFFFFC000  }
0x3a: {  	_ =	swait.ge [sflag:s29], $0x80  }
0x3b: {  	[sflag:s29] =	ssyncset.done $0x0  }
0x3c: {  	[sflag:s29] =	ssyncadd.s32 $0xFFFFFF80  }
0x3d: {  	_ =	swait.ge [sflag:s30], $0x4000  }
0x3e: {  	s12 =	sshrl.u32 s11, $0x3;
	[sflag:s30] =	ssyncset.done $0x0  }
0x3f: {  	s8 =	sadd.s32 s5, s12;
	[sflag:s30] =	ssyncadd.s32 $0xFFFFC000  }
0x40: {  	[tilespmem:s21], [sflag:$0x1] =	stream.linear.gather [hbm4b:s8+s2], $0x80, $0x38;
	[tilespmem:$0x1E980] =	vst v63  }
0x41: {  	s17 =	simm.s32 $0x100  }
0x42: {  	[tilespmem:s22], [sflag:$0x3] =	stream.indirect.gather [hbm4b:s4+s26], $0x80, s17, s26, $0xb8;
	[tilespmem:$0x1E980] =	vst v63  }
0x43: {  	_ = 	snop  }
0x44: {  	[spmem:s1] =	stream.indirect.scatter.add.f32 [tilespmem:s28], [sflag:$0x5], $0x80, s25, s26, $0xb8;
	[tilespmem:$0x1E980] =	vst v63  }
0x45: {  	s9 =	simm.s32 $0x80;
	_ =	swait.ge [sflag:s19], $0x4000  }
0x46: {  	s8 =	simm.s32 $0x20;
	s17 =	smov.u32 s11;
	[sflag:s19] =	ssyncset.done $0x0  }
.LBB2_2:
0x47: {  	[sflag:s19] =	ssyncadd.s32 $0xFFFFC000;
	s9 =	sadd.s32 $0x100, s9;
	s17 =	sadd.s32 $0x100, s17  }
0x48: {  	p1 =	sne.s32 s8, $0x4A0;
	s12 =	smov.u32 s8;
	s8 =	sadd.s32 $0x20, s8  }
0x49: {  	_ =	swait.ge [sflag:s23], $0x80  }
0x4a: {  	[sflag:s23] =	ssyncset.done $0x0  }
0x4b: {  	[sflag:s23] =	ssyncadd.s32 $0xFFFFFF80  }
0x4c: {  	_ =	swait.ge [sflag:s24], $0x4000  }
0x4d: {  	[sflag:s24] =	ssyncset.done $0x0  }
0x4e: {  	s12 =	sadd.s32 s12, s16;
	[sflag:s24] =	ssyncadd.s32 $0xFFFFC000  }
0x4f: {  	[tilespmem:s25], [sflag:$0x2] =	stream.linear.gather [hbm4b:s12+s2], $0x80, $0x38;
	[tilespmem:$0x1E980] =	vst v63  }
0x50: {  	_ = 	snop  }
0x51: {  	[tilespmem:s28], [sflag:$0x4] =	stream.indirect.gather [hbm4b:s4+s26], $0x80, s9, s26, $0xb8;
	[tilespmem:$0x1E980] =	vst v63  }
0x52: {  	_ = 	snop  }
0x53: {  	[spmem:s1] =	stream.indirect.scatter.add.f32 [tilespmem:s22], [sflag:$0x5], $0x80, s21, s26, $0xb8;
	[tilespmem:$0x1E980] =	vst v63  }
0x54: {  	_ =	swait.ge [sflag:s19], $0x4000  }
0x55: {  	[sflag:s19] =	ssyncset.done $0x0  }
0x56: {  	[sflag:s19] =	ssyncadd.s32 $0xFFFFC000  }
0x57: {  	_ =	swait.ge [sflag:s29], $0x80  }
0x58: {  	[sflag:s29] =	ssyncset.done $0x0  }
0x59: {  	[sflag:s29] =	ssyncadd.s32 $0xFFFFFF80  }
0x5a: {  	_ =	swait.ge [sflag:s30], $0x4000  }
0x5b: {  	s12 =	sshrl.u32 s17, $0x3;
	[sflag:s30] =	ssyncset.done $0x0  }
0x5c: {  	s12 =	sadd.s32 s5, s12;
	[sflag:s30] =	ssyncadd.s32 $0xFFFFC000  }
0x5d: {  	[tilespmem:s21], [sflag:$0x1] =	stream.linear.gather [hbm4b:s12+s2], $0x80, $0x38;
	[tilespmem:$0x1E980] =	vst v63  }
0x5e: {  	s12 =	sadd.s32 $0x80, s9  }
0x5f: {  	[tilespmem:s22], [sflag:$0x3] =	stream.indirect.gather [hbm4b:s4+s26], $0x80, s12, s26, $0xb8;
	[tilespmem:$0x1E980] =	vst v63  }
.Ltmp0:
0x60: {  	_ = 	snop;
	(pc) =	sbr.rel @p1 .LBB2_2-.Ltmp0, $4  }
0x61: {  	_ = 	snop  }
0x62: {  	[spmem:s1] =	stream.indirect.scatter.add.f32 [tilespmem:s28], [sflag:$0x5], $0x80, s25, s26, $0xb8;
	[tilespmem:$0x1E980] =	vst v63  }
0x63: {  	_ =	swait.ge [sflag:s19], $0x4000  }
0x64: {  	[sflag:s19] =	ssyncset.done $0x0  }
0x65: {  	[sflag:s19] =	ssyncadd.s32 $0xFFFFC000  }
0x66: {  	_ =	swait.ge [sflag:s23], $0x80  }
0x67: {  	[sflag:s23] =	ssyncset.done $0x0  }
0x68: {  	[sflag:s23] =	ssyncadd.s32 $0xFFFFFF80  }
0x69: {  	_ =	swait.ge [sflag:s24], $0x4000  }
0x6a: {  	[sflag:s24] =	ssyncset.done $0x0  }
0x6b: {  	[sflag:s24] =	ssyncadd.s32 $0xFFFFC000  }
0x6c: {  	[tilespmem:s25], [sflag:$0x2] =	stream.linear.gather [hbm4b:s15+s2], $0x80, $0x38;
	[tilespmem:$0x1E980] =	vst v63  }
0x6d: {  	s8 =	simm.s32 $0x2680  }
0x6e: {  	[tilespmem:s28], [sflag:$0x4] =	stream.indirect.gather [hbm4b:s4+s26], $0x80, s8, s26, $0xb8;
	[tilespmem:$0x1E980] =	vst v63  }
0x6f: {  	_ = 	snop  }
0x70: {  	[spmem:s1] =	stream.indirect.scatter.add.f32 [tilespmem:s22], [sflag:$0x5], $0x80, s21, s26, $0xb8;
	[tilespmem:$0x1E980] =	vst v63  }
0x71: {  	_ =	swait.ge [sflag:s19], $0x4000  }
0x72: {  	[sflag:s19] =	ssyncset.done $0x0  }
0x73: {  	[sflag:s19] =	ssyncadd.s32 $0xFFFFC000  }
0x74: {  	_ =	swait.ge [sflag:s29], $0x80  }
0x75: {  	[sflag:s29] =	ssyncset.done $0x0  }
0x76: {  	[sflag:s29] =	ssyncadd.s32 $0xFFFFFF80  }
0x77: {  	_ =	swait.ge [sflag:s30], $0x4000  }
0x78: {  	[sflag:s30] =	ssyncset.done $0x0  }
0x79: {  	[sflag:s30] =	ssyncadd.s32 $0xFFFFC000  }
0x7a: {  	[spmem:s1] =	stream.indirect.scatter.add.f32 [tilespmem:s28], [sflag:$0x5], $0x80, s25, s26, $0xb8;
	[tilespmem:$0x1E980] =	vst v63  }
0x7b: {  	_ =	swait.ge [sflag:s19], $0x4000  }
0x7c: {  	[sflag:s19] =	ssyncset.done $0x0  }
0x7d: {  	s9 =	rddreg [dreg:$0x7];
	[sflag:s19] =	ssyncadd.s32 $0xFFFFC000  }
0x7e: {  	[tilespmem:s0], [sflag:$0x5] =	stream.linear.gather [hbm4b:s9+s2], $0x10, $0x38;
	[tilespmem:$0x1E980] =	vst v63  }
0x7f: {  	_ =	swait.ge [sflag:s19], $0x10  }
0x80: {  	[sflag:s19] =	ssyncset.done $0x0  }
0x81: {  	s12 =	simm.s32 $0x2700;
	[sflag:s19] =	ssyncadd.s32 $0xFFFFFFF0  }
0x82: {  	[tilespmem:s31], [sflag:$0x5] =	stream.indirect.gather [hbm4b:s4+s3], $0x80, s12, s3, $0xb8;
	[tilespmem:$0x1E980] =	vst v63  }
0x83: {  	_ =	swait.ge [sflag:s19], $0x800  }
0x84: {  	[sflag:s19] =	ssyncset.done $0x0  }
0x85: {  	[sflag:s19] =	ssyncadd.s32 $0xFFFFF800  }
0x86: {  	[spmem:s1] =	stream.indirect.scatter.add.f32 [tilespmem:s31], [sflag:$0x5], $0x80, s0, s3, $0xb8;
	[tilespmem:$0x1E980] =	vst v63  }
0x87: {  	_ =	swait.ge [sflag:s19], $0x800  }
0x88: {  	[sflag:s19] =	ssyncset.done $0x0  }
0x89: {  	[sflag:s19] =	ssyncadd.s32 $0xFFFFF800  }
0x8a: {  	[bflag:$0x0] =	sbarrier.arrive $0xFFFF  }
0x8b: {  	s17 =	rddreg [dreg:$0x8]  }
0x8c: {  	[hbm:s17], [sflag:s7] =	dma.local [spmem:s18], $0x2700  }
0x8d: {  	s6 =	sadd.s32 $0x1, s6;
	_ =	swait.ge [sflag:s19], $0x2700  }
0x8e: {  	p1 =	sne.s32 s6, s14;
	[sflag:s19] =	ssyncset.done $0x0  }
.Ltmp1:
0x8f: {  	s8 =	simm.s32 @!p0 $0x5;
	[sflag:s19] =	ssyncadd.s32 $0xFFFFD900;
	(pc) =	sbr.rel @p1 .LBB2_1-.Ltmp1, $4  }
0x90: {  	[hbm:s13], [sflag:s7] =	dma.local @!p0 [spmem:s20], $0x100  }
0x91: {  	_ =	swait.ge @!p0 [sflag:s8], $0x100  }
0x92: {  	[sflag:s8] =	ssyncset.done @!p0 $0x0  }
0x93: {  	[sflag:s8] =	ssyncadd.s32 @!p0 $0xFFFFFF00  }
0x94: {  	_ =	sfence.sel $0x180000  }
0x95: {  	[bflag:$0x0] =	sbarrier.arrive $0xFFFF  }
0x96: {  	_ =	strace $0x9000004A  }
0x97: {  	s0 =	stileid.u32;
	[bflag:$0x2] =	sbarrier.arrive $0xFFFF  }
0x98: {  	p0 =	sne.s32 s0, $0x0;
	s0 =	rddreg [dreg:$0x3]  }
0x99: {  	s0 =	sadd.s32 @!p0 $0x100000, s0  }
0x9a: {  	[sflag:s0] =	ssyncadd.tile.s32 @!p0 $0x1;
	_ =	shalt  }
.Lfunc_end2:
_tile_overlayer_lowered:
.L_overlay_start_2:
0x9b: {  	(tag) =	ssettag $0x2  }
0x9c: {  	s0 =	rddreg [dreg:$0x0];
	s2 =	stileid.u32  }
0x9d: {  	s1 =	rddreg [dreg:$0x1];
	p0 =	sne.s32 s2, $0x0  }
0x9e: {  	s3 =	rddreg [dreg:$0x2];
	[bflag:$0x3] =	sbarrier.arrive $0xFFFF;
	s2 =	simm.s32 @!p0 $0x1C05  }
0x9f: {  	[timem:s3], [sflag:s2] =	dma.local @!p0 [hbm:s0], s1  }
0xa0: {  	s0 =	simm.s32 @!p0 $0x5  }
0xa1: {  	_ =	swait.ge @!p0 [sflag:s0], s1  }
0xa2: {  	s1 =	ssub.s32 @!p0 $0x0, s1;
	[sflag:s0] =	ssyncset.done @!p0 $0x0  }
0xa3: {  	[sflag:s0] =	ssyncadd.s32 @!p0 s1  }
0xa4: {  	[bflag:$0x3] =	sbarrier.arrive $0xFFFF  }
0xa5: {  	_ =	shalt  }

// kernel: kernel.14.cloned.1.call-start
scs
__scs_entry_jumppad:
0x0: {  	(pc) =	sbr.rel $0x88, $3  }
0x1: {  	(tag) =	ssettag $0x0;
	lr =	simm.s32 $0x1  }
0x2: {  	[smem:$0x3F95] =	sst lr;
	_ =	strace $0xD0000000  }
0x3: {  	_ = 	snop  }
0x4: {  	_ = 	snop  }
0x5: {  	_ = 	snop  }
0x6: {  	_ = 	snop  }
0x7: {  	_ = 	snop  }
__scs_overlays_trampoline_lowered:
0x8: {  	[smem:$0x3FA4] =	sst s0  }
0x9: {  	[smem:$0x3FA5] =	sst s1  }
0xa: {  	[smem:$0x3FA6] =	sst s2  }
0xb: {  	[smem:$0x3FA7] =	sst s3  }
0xc: {  	[smem:$0x3FA8] =	sst s4  }
0xd: {  	[smem:$0x3FA9] =	sst s5  }
0xe: {  	[smem:$0x3FAA] =	sst s6  }
0xf: {  	[smem:$0x3FAB] =	sst s7  }
0x10: {  	[smem:$0x3FAC] =	sst s8  }
0x11: {  	[smem:$0x3FAD] =	sst s9;
	s0 =	simm.s32 @!p0 $0x0  }
0x12: {  	s1 =	sld [smem:$0x3F93];
	s0 =	simm.s32 @p0 $0x1  }
0x13: {  	[smem:$0x3FAE] =	sst s0;
	s0 =	simm.s32 @!p1 $0x0  }
0x14: {  	s2 =	sld [smem:$0x3F92];
	s0 =	simm.s32 @p1 $0x1  }
0x15: {  	[smem:$0x3FAF] =	sst s0;
	s0 =	simm.s32 @!p2 $0x0  }
0x16: {  	s3 =	sld [smem:$0x3FDB];
	s0 =	simm.s32 @p2 $0x1  }
0x17: {  	s4 =	simm.s32 $0x1BF5;
	[smem:$0x3FB1] =	sst s0  }
0x18: {  	s0 =	sld [smem:$0x3F94];
	_ =	swait.ge [sflag:s4], $0x0  }
0x19: {  	s7 =	sld [smem:$0x3F95]  }
0x1a: {  	s8 =	sadd.s32 $0xFFFFE003, lr  }
0x1b: {  	s9 =	sadd.s32 $0xFFFFFEF7, lr;
	s5 =	simm.s32 $0xFFFFFFFF;
	p2 =	slt.u32 s8, $0xFFFFF086  }
0x1c: {  	p1 =	slt.u32 s9, $0xF7A;
	s5 =	simm.s32 @!p2 $0x0  }
0x1d: {  	s5 =	simm.s32 @p1 $0x1;
	p0 =	seq.s32 s7, s2  }
0x1e: {  	s7 =	smul.u32 @!p0 $0xF7A, s2;
	p2 =	seq.s32 @!p0 s5, $0x0  }
0x1f: {  	s9 =	smul.u32 $0xF7A, s1;
	s8 =	simm.s32 @!p0 $0x1BF5;
	p2 =	por !p2, p0  }
0x20: {  	[sflag:s8] =	ssyncset.s32 @!p0 $0xFFFFF086;
	s6 =	sadd.s32 @!p0 s3, s7;
	s7 =	simm.s32 @!p0 $0x108  }
0x21: {  	s3 =	sadd.s32 s3, s9;
	s6 =	sadd.s32 @!p0 $0x88, s6;
	s7 =	simm.s32 @p2 $0x1082  }
0x22: {  	[simem:s7], [sflag:s8] =	dma.local @!p0 [hbm:s6], $0xF7A  }
0x23: {  	s9 =	sor.u32 $0xD0000000, s2;
	s6 =	simm.s32 $0x108;
	_ =	swait.ge @!p0 [sflag:s8], $0x0  }
0x24: {  	s3 =	sadd.s32 $0x88, s3;
	s6 =	simm.s32 @!p1 $0x1082;
	[sflag:s4] =	ssyncset.s32 $0xFFFFF086  }
0x25: {  	[simem:s6], [sflag:s4] =	dma.local [hbm:s3], $0xF7A  }
0x26: {  	[smem:$0x3F95] =	sst s1;
	(tag) =	ssettag s2;
	_ =	strace s9  }
0x27: {  	s1 =	sld [smem:$0x3FA5]  }
0x28: {  	s2 =	sld [smem:$0x3FA6]  }
0x29: {  	s4 =	sld [smem:$0x3FA8]  }
0x2a: {  	p0 =	seq.s32 s5, $0x0;
	s5 =	sld [smem:$0x3FA9]  }
0x2b: {  	s6 =	sld [smem:$0x3FAA]  }
0x2c: {  	s7 =	sld [smem:$0x3FAB]  }
0x2d: {  	s3 =	simm.s32 $0x108;
	s8 =	sld [smem:$0x3FAC]  }
0x2e: {  	s3 =	simm.s32 @!p0 $0x1082;
	s9 =	sld [smem:$0x3FAD]  }
0x2f: {  	lr =	sadd.s32 s0, s3;
	s0 =	sld [smem:$0x3FA4]  }
0x30: {  	s3 =	sld [smem:$0x3FA7]  }
0x31: {  	[smem:$0x3FB0] =	sst s10  }
0x32: {  	s10 =	sld [smem:$0x3FAE];
	_ =	sdelay $0x3  }
0x33: {  	p0 =	seq.s32 s10, $0x1;
	s10 =	sld [smem:$0x3FB0];
	_ =	sdelay $0x3  }
0x34: {  	[smem:$0x3FB0] =	sst s10  }
0x35: {  	s10 =	sld [smem:$0x3FAF];
	_ =	sdelay $0x3  }
0x36: {  	p1 =	seq.s32 s10, $0x1;
	s10 =	sld [smem:$0x3FB0];
	_ =	sdelay $0x3  }
0x37: {  	[smem:$0x3FB0] =	sst s10  }
0x38: {  	s10 =	sld [smem:$0x3FB1]  }
0x39: {  	_ = 	snop;
	(pc) =	sbr.ind lr, $3  }
0x3a: {  	_ = 	snop  }
0x3b: {  	_ = 	snop  }
0x3c: {  	p2 =	seq.s32 s10, $0x1;
	s10 =	sld [smem:$0x3FB0]  }
0x3d: {  	_ =	shalt  }
0x3e: {  	_ =	shalt  }
0x3f: {  	_ =	shalt  }
0x40: {  	_ =	shalt  }
0x41: {  	_ =	shalt  }
0x42: {  	_ =	shalt  }
0x43: {  	_ =	shalt  }
0x44: {  	_ =	shalt  }
0x45: {  	_ =	shalt  }
0x46: {  	_ =	shalt  }
0x47: {  	_ =	shalt  }
0x48: {  	_ =	shalt  }
0x49: {  	_ =	shalt  }
0x4a: {  	_ =	shalt  }
0x4b: {  	_ =	shalt  }
0x4c: {  	_ =	shalt  }
0x4d: {  	_ =	shalt  }
0x4e: {  	_ =	shalt  }
0x4f: {  	_ =	shalt  }
0x50: {  	_ =	shalt  }
0x51: {  	_ =	shalt  }
0x52: {  	_ =	shalt  }
0x53: {  	_ =	shalt  }
0x54: {  	_ =	shalt  }
0x55: {  	_ =	shalt  }
0x56: {  	_ =	shalt  }
0x57: {  	_ =	shalt  }
0x58: {  	_ =	shalt  }
0x59: {  	_ =	shalt  }
0x5a: {  	_ =	shalt  }
0x5b: {  	_ =	shalt  }
0x5c: {  	_ =	shalt  }
0x5d: {  	_ =	shalt  }
0x5e: {  	_ =	shalt  }
0x5f: {  	_ =	shalt  }
0x60: {  	_ =	shalt  }
0x61: {  	_ =	shalt  }
0x62: {  	_ =	shalt  }
0x63: {  	_ =	shalt  }
0x64: {  	_ =	shalt  }
0x65: {  	_ =	shalt  }
0x66: {  	_ =	shalt  }
0x67: {  	_ =	shalt  }
0x68: {  	_ =	shalt  }
0x69: {  	_ =	shalt  }
0x6a: {  	_ =	shalt  }
0x6b: {  	_ =	shalt  }
0x6c: {  	_ =	shalt  }
0x6d: {  	_ =	shalt  }
0x6e: {  	_ =	shalt  }
0x6f: {  	_ =	shalt  }
0x70: {  	_ =	shalt  }
0x71: {  	_ =	shalt  }
0x72: {  	_ =	shalt  }
0x73: {  	_ =	shalt  }
0x74: {  	_ =	shalt  }
0x75: {  	_ =	shalt  }
0x76: {  	_ =	shalt  }
0x77: {  	_ =	shalt  }
0x78: {  	_ =	shalt  }
0x79: {  	_ =	shalt  }
0x7a: {  	_ =	shalt  }
0x7b: {  	_ =	shalt  }
0x7c: {  	_ =	shalt  }
0x7d: {  	_ =	shalt  }
0x7e: {  	_ =	shalt  }
0x7f: {  	_ =	shalt  }
0x80: {  	_ =	shalt  }
0x81: {  	_ =	shalt  }
0x82: {  	_ =	shalt  }
0x83: {  	_ =	shalt  }
0x84: {  	_ =	shalt  }
0x85: {  	_ =	shalt  }
0x86: {  	_ =	shalt  }
0x87: {  	_ =	shalt  }
.Lfunc_end0:
.L_simem_size_0:
called_computation.2_lowered:
.L_overlay_start_0:
0x88: {  	s2 =	sld [smem:$0x3FD9]  }
0x89: {  	s3 =	sld [smem:$0x3FFE];
	_ =	sdelay $0x1  }
0x8a: {  	s1 =	srdreg.scid  }
0x8b: {  	s0 =	sand.u32 $0x1, s1  }
0x8c: {  	s17 =	sshll.u32 s0, $0xA;
	s2 =	sadd.s32 s3, s2  }
0x8d: {  	s2 =	sadd.s32 s2, s17  }
0x8e: {  	[smem:$0x3FBC] =	sst s2  }
0x8f: {  	_ = 	snop  }
0x90: {  	s2 =	sld [smem:$0x3FD0];
	(tm) =	ssettm $0x1  }
0x91: {  	s18 =	sld [smem:$0x3FFB];
	_ =	sdelay $0x3  }
0x92: {  	_ =	strace s18  }
0x93: {  	s3 =	sld [smem:$0x3FFC];
	_ =	sdelay $0x3  }
0x94: {  	_ =	strace s3  }
0x95: {  	s3 =	sld [smem:$0x3FFD];
	_ =	sdelay $0x3  }
0x96: {  	_ =	strace s3  }
0x97: {  	_ =	strace $0x8FFFFFFF  }
0x98: {  	s19 =	sld [smem:$0x3FDB];
	_ =	sdelay $0x1  }
0x99: {  	s4 =	simm.s32 $_scs_section_size  }
0x9a: {  	s5 =	simm.s32 $_size__tile_overlayer_lowered;
	s6 =	simm.s32 $_tile_overlayer_lowered  }
0x9b: {  	s22 =	simm.s32 $0x1BFF;
	s21 =	sshll.u32 s6, $0x1;
	s3 =	sadd.s32 s4, s19  }
0x9c: {  	s7 =	simm.s32 $0x0;
	s20 =	sshll.u32 s5, $0x1;
	s5 =	sadd.s32 s21, s3  }
0x9d: {  	[timem:s7], [sflag:s22] =	dma.local [hbm:s5], s20  }
0x9e: {  	_ =	swait.ge [sflag:s22], s20  }
0x9f: {  	s4 =	ssub.s32 $0x0, s20;
	[sflag:s22] =	ssyncset.done $0x0  }
0xa0: {  	[sflag:s22] =	ssyncadd.s32 s4;
	_ =	sdelay $0x1  }
0xa1: {  	s23 =	simm.s32 $0x1B8B  }
0xa2: {  	_ =	swait.ge [sflag:s23], $0x1  }
0xa3: {  	[sflag:s23] =	ssyncset.done $0x0  }
0xa4: {  	s25 =	simm.s32 $0x1B8E;
	s24 =	sld [smem:$0x3FFE];
	[sflag:s23] =	ssyncadd.s32 $0xFFFFFFFF  }
0xa5: {  	s26 =	simm.s32 $execute0_lowered;
	[smem:$0x3FD2] =	sst s25  }
0xa6: {  	s5 =	sshll.u32 s26, $0x1;
	_ =	strace $0x8000004C;
	[dreg:$0x1] =	wrdreg $0xFFFFFFFF  }
0xa7: {  	s28 =	simm.s32 $_size_execute0_lowered;
	s3 =	sadd.s32 s3, s5;
	[dreg:$0x0] =	wrdreg $0x0  }
0xa8: {  	s5 =	sshll.u32 s28, $0x1;
	[dreg:$0x2] =	wrdreg s3  }
0xa9: {  	[dreg:$0x3] =	wrdreg s5  }
0xaa: {  	[dreg:$0x4] =	wrdreg $0xC0  }
0xab: {  	_ =	task [dreg:s7], $0x5FFFF  }
0xac: {  	[dreg:$0x1] =	wrdreg $0xFFFFFFFF  }
0xad: {  	[dreg:$0x0] =	wrdreg $0x60  }
0xae: {  	[dreg:$0x2] =	wrdreg s24  }
0xaf: {  	[dreg:$0x3] =	wrdreg s2  }
0xb0: {  	[dreg:$0x4] =	wrdreg $0xB1000  }
0xb1: {  	[dreg:$0x5] =	wrdreg $0x9  }
0xb2: {  	_ =	task.clear_ibuf [dreg:s7], $0x6FFFF;
	_ =	strace $0x9000004C  }
0xb3: {  	s29 =	simm.s32 $0x9;
	_ =	strace $0x8000004E  }
0xb4: {  	_ =	swait.ge [sflag:s29], $0x1  }
0xb5: {  	[sflag:s29] =	ssyncadd.s32 $0xFFFFFFFF  }
0xb6: {  	_ =	strace $0x9000004E  }
0xb7: {  	_ =	sfence  }
0xb8: {  	s30 =	sld [smem:$0x0];
	_ =	sdelay $0x2  }
0xb9: {  	s31 =	sshll.u32 s1, $0xD;
	s1 =	sshrl.u32 s1, $0x2  }
0xba: {  	s3 =	sand.u32 $0x4000, s31;
	s1 =	sadd.s32 s1, s30  }
0xbb: {  	s0 =	sor.u32 s3, s0;
	s1 =	sshll.u32 s1, $0x11  }
0xbc: {  	s0 =	sor.u32 s1, s0  }
0xbd: {  	s0 =	sadd.s32 $0x8F2B, s0  }
0xbe: {  	[sflag:s0] =	ssyncadd.remote.s32 $0x1  }
0xbf: {  	_ =	sfence.sel $0xFFFF  }
0xc0: {  	[dreg:$0x0] =	wrdreg $0xFFFFFFFF;
	(pc) =	sbr.abs _section_cstart, $3  }
0xc1: {  	[dreg:$0x1] =	wrdreg $0xFFFFFFFF  }
0xc2: {  	_ =	task.clear_ibuf [dreg:s7], $0x2FFFF;
	_ =	strace $0x9FFFFFFF  }
0xc3: {  	(tm) =	ssettm $0x7FFFFFFF  }
tec
execute0_lowered:
.L_overlay_start_1:
0x0: {  	(tag) =	ssettag $0x1  }
0x1: {  	s0 =	rddreg [dreg:$0x0]  }
0x2: {  	s3 =	rddreg [dreg:$0x1]  }
0x3: {  	s1 =	rddreg [dreg:$0x2];
	s2 =	simm.s32 $0x0  }
0x4: {  	s5 =	srdreg.scid;
	s18 =	stileid.u32;
	s28 =	simm.s32 $0x6900  }
0x5: {  	s29 =	simm.s32 $0x2;
	s30 =	simm.s32 $0x4;
	s31 =	simm.s32 $0xA900  }
0x6: {  	[smem:$0x7FF] =	sst s2;
	s4 =	sadd.s32 $0xD200, s0;
	s8 =	smul.u32 $0x4E000, s18  }
0x7: {  	s6 =	sand.u32 $0x1, s5;
	s5 =	sadd.s32 $0x3400, s0;
	s11 =	smul.u32 $0x13800, s18  }
0x8: {  	s12 =	sadd.s32 $0x82600, s0;
	s20 =	sshll.u32 s18, $0x6;
	s0 =	sadd.s32 $0x34200, s0  }
0x9: {  	s22 =	smul.u32 $0x2710, s18;
	p0 =	sne.s32 s18, $0xF;
	_ =	strace $0x8000004D  }
0xa: {  	s7 =	ssub.s32 $0x2, s6;
	s10 =	sshll.u32 s6, $0x4;
	s13 =	smul.u32 $0x138800, s6  }
0xb: {  	[dreg:$0x5] =	wrdreg s0;
	s6 =	smul.u32 $0x27100, s6;
	s9 =	sshrl.u32 s7, $0x1  }
0xc: {  	s14 =	sor.u32 s18, s10;
	s15 =	sshrl.u32 s8, $0x2;
	s16 =	sshrl.u32 s11, $0x3  }
0xd: {  	s8 =	sadd.s32 $0x138000, s1;
	s9 =	ssub.s32 s7, s9;
	s10 =	smul.u32 $0x2710, s14  }
0xe: {  	s17 =	sadd.s32 s15, s1;
	s19 =	sadd.s32 s4, s16;
	s7 =	sor.u32 $0x1C05, s20  }
0xf: {  	s24 =	sadd.s32 s11, s13;
	s25 =	sshrl.u32 s13, $0x3;
	s0 =	sadd.s32 s22, s6  }
0x10: {  	s20 =	sshrl.u32 @!p0 s8, $0x3;
	s22 =	simm.s32 $0x2900;
	s6 =	simm.s32 $0x0  }
0x11: {  	[dreg:$0x4] =	wrdreg s19;
	s11 =	sadd.s32 s12, s25;
	s26 =	sadd.s32 $0x80, s0  }
0x12: {  	s14 =	smax.u32 s9, $0x1;
	s18 =	sshrl.u32 s17, $0x3;
	s19 =	simm.s32 $0x5  }
0x13: {  	s25 =	simm.s32 $0x2800;
	s21 =	sshrl.u32 s10, $0x3;
	s13 =	sadd.s32 $0x27000, s11  }
0x14: {  	s11 =	sadd.s32 $0x100, s0;
	s0 =	simm.s32 $0x2880;
	s3 =	sadd.s32 s3, s21  }
0x15: {  	s10 =	sadd.s32 s5, s21;
	s21 =	simm.s32 $0x2780;
	[dreg:$0x6] =	wrdreg s3  }
0x16: {  	s23 =	sadd.s32 $0x4E0, s10;
	s3 =	sshrl.u32 s24, $0x3;
	s15 =	sadd.s32 $0x4D0, s10  }
0x17: {  	s24 =	simm.s32 $0x3;
	[dreg:$0x7] =	wrdreg s23;
	s3 =	sadd.s32 s12, s3  }
0x18: {  	s23 =	simm.s32 $0x1;
	[dreg:$0x8] =	wrdreg s3;
	s3 =	sshrl.u32 s26, $0x3  }
0x19: {  	s26 =	simm.s32 $0x80;
	s16 =	sadd.s32 s3, s5;
	s3 =	simm.s32 $0x10  }
.LBB2_1:
0x1a: {  	s8 =	rddreg [dreg:$0x4]  }
0x1b: {  	[spmem:s18], [sflag:s7] =	dma.local [hbm:s8], $0x2700  }
0x1c: {  	_ =	swait.ge [sflag:s19], $0x2700  }
0x1d: {  	[sflag:s19] =	ssyncset.done $0x0  }
0x1e: {  	s8 =	rddreg [dreg:$0x5];
	[sflag:s19] =	ssyncadd.s32 $0xFFFFD900  }
0x1f: {  	[spmem:s20], [sflag:s7] =	dma.local @!p0 [hbm:s8], $0x100  }
0x20: {  	s8 =	simm.s32 @!p0 $0x5  }
0x21: {  	_ =	swait.ge @!p0 [sflag:s8], $0x100  }
0x22: {  	[sflag:s8] =	ssyncset.done @!p0 $0x0  }
0x23: {  	s17 =	rddreg [dreg:$0x6];
	[sflag:s8] =	ssyncadd.s32 @!p0 $0xFFFFFF00  }
0x24: {  	[tilespmem:s2], [sflag:$0x5] =	stream.linear.gather [hbm4b:s17+s2], $0x2710, $0x38;
	[tilespmem:$0x1E980] =	vst v63  }
0x25: {  	_ =	swait.ge [sflag:s19], $0x2710  }
0x26: {  	[sflag:s19] =	ssyncset.done $0x0  }
0x27: {  	[sflag:s19] =	ssyncadd.s32 $0xFFFFD8F0  }
0x28: {  	[bflag:$0x0] =	sbarrier.arrive $0xFFFF  }
0x29: {  	[tilespmem:s21], [sflag:$0x1] =	stream.linear.gather [hbm4b:s10+s2], $0x80, $0x38;
	[tilespmem:$0x1E980] =	vst v63  }
0x2a: {  	_ = 	snop  }
0x2b: {  	[tilespmem:s22], [sflag:$0x3] =	stream.indirect.gather [hbm4b:s4+s26], $0x80, s2, s26, $0xb8;
	[tilespmem:$0x1E980] =	vst v63  }
0x2c: {  	_ =	swait.ge [sflag:s23], $0x80  }
0x2d: {  	[sflag:s23] =	ssyncset.done $0x0  }
0x2e: {  	[sflag:s23] =	ssyncadd.s32 $0xFFFFFF80  }
0x2f: {  	_ =	swait.ge [sflag:s24], $0x4000  }
0x30: {  	[sflag:s24] =	ssyncset.done $0x0  }
0x31: {  	s9 =	sadd.s32 $0x0, s16;
	[sflag:s24] =	ssyncadd.s32 $0xFFFFC000  }
0x32: {  	[tilespmem:s25], [sflag:$0x2] =	stream.linear.gather [hbm4b:s9+s2], $0x80, $0x38;
	[tilespmem:$0x1E980] =	vst v63  }
0x33: {  	_ = 	snop  }
0x34: {  	[tilespmem:s28], [sflag:$0x4] =	stream.indirect.gather [hbm4b:s4+s26], $0x80, s26, s26, $0xb8;
	[tilespmem:$0x1E980] =	vst v63  }
0x35: {  	_ = 	snop  }
0x36: {  	[spmem:s1] =	stream.indirect.scatter.add.f32 [tilespmem:s22], [sflag:$0x5], $0x80, s21, s26, $0xb8;
	[tilespmem:$0x1E980] =	vst v63  }
0x37: {  	_ =	swait.ge [sflag:s19], $0x4000  }
0x38: {  	[sflag:s19] =	ssyncset.done $0x0  }
0x39: {  	[sflag:s19] =	ssyncadd.s32 $0xFFFFC000  }
0x3a: {  	_ =	swait.ge [sflag:s29], $0x80  }
0x3b: {  	[sflag:s29] =	ssyncset.done $0x0  }
0x3c: {  	[sflag:s29] =	ssyncadd.s32 $0xFFFFFF80  }
0x3d: {  	_ =	swait.ge [sflag:s30], $0x4000  }
0x3e: {  	s12 =	sshrl.u32 s11, $0x3;
	[sflag:s30] =	ssyncset.done $0x0  }
0x3f: {  	s8 =	sadd.s32 s5, s12;
	[sflag:s30] =	ssyncadd.s32 $0xFFFFC000  }
0x40: {  	[tilespmem:s21], [sflag:$0x1] =	stream.linear.gather [hbm4b:s8+s2], $0x80, $0x38;
	[tilespmem:$0x1E980] =	vst v63  }
0x41: {  	s17 =	simm.s32 $0x100  }
0x42: {  	[tilespmem:s22], [sflag:$0x3] =	stream.indirect.gather [hbm4b:s4+s26], $0x80, s17, s26, $0xb8;
	[tilespmem:$0x1E980] =	vst v63  }
0x43: {  	_ = 	snop  }
0x44: {  	[spmem:s1] =	stream.indirect.scatter.add.f32 [tilespmem:s28], [sflag:$0x5], $0x80, s25, s26, $0xb8;
	[tilespmem:$0x1E980] =	vst v63  }
0x45: {  	s9 =	simm.s32 $0x80;
	_ =	swait.ge [sflag:s19], $0x4000  }
0x46: {  	s8 =	simm.s32 $0x20;
	s17 =	smov.u32 s11;
	[sflag:s19] =	ssyncset.done $0x0  }
.LBB2_2:
0x47: {  	[sflag:s19] =	ssyncadd.s32 $0xFFFFC000;
	s9 =	sadd.s32 $0x100, s9;
	s17 =	sadd.s32 $0x100, s17  }
0x48: {  	p1 =	sne.s32 s8, $0x4A0;
	s12 =	smov.u32 s8;
	s8 =	sadd.s32 $0x20, s8  }
0x49: {  	_ =	swait.ge [sflag:s23], $0x80  }
0x4a: {  	[sflag:s23] =	ssyncset.done $0x0  }
0x4b: {  	[sflag:s23] =	ssyncadd.s32 $0xFFFFFF80  }
0x4c: {  	_ =	swait.ge [sflag:s24], $0x4000  }
0x4d: {  	[sflag:s24] =	ssyncset.done $0x0  }
0x4e: {  	s12 =	sadd.s32 s12, s16;
	[sflag:s24] =	ssyncadd.s32 $0xFFFFC000  }
0x4f: {  	[tilespmem:s25], [sflag:$0x2] =	stream.linear.gather [hbm4b:s12+s2], $0x80, $0x38;
	[tilespmem:$0x1E980] =	vst v63  }
0x50: {  	_ = 	snop  }
0x51: {  	[tilespmem:s28], [sflag:$0x4] =	stream.indirect.gather [hbm4b:s4+s26], $0x80, s9, s26, $0xb8;
	[tilespmem:$0x1E980] =	vst v63  }
0x52: {  	_ = 	snop  }
0x53: {  	[spmem:s1] =	stream.indirect.scatter.add.f32 [tilespmem:s22], [sflag:$0x5], $0x80, s21, s26, $0xb8;
	[tilespmem:$0x1E980] =	vst v63  }
0x54: {  	_ =	swait.ge [sflag:s19], $0x4000  }
0x55: {  	[sflag:s19] =	ssyncset.done $0x0  }
0x56: {  	[sflag:s19] =	ssyncadd.s32 $0xFFFFC000  }
0x57: {  	_ =	swait.ge [sflag:s29], $0x80  }
0x58: {  	[sflag:s29] =	ssyncset.done $0x0  }
0x59: {  	[sflag:s29] =	ssyncadd.s32 $0xFFFFFF80  }
0x5a: {  	_ =	swait.ge [sflag:s30], $0x4000  }
0x5b: {  	s12 =	sshrl.u32 s17, $0x3;
	[sflag:s30] =	ssyncset.done $0x0  }
0x5c: {  	s12 =	sadd.s32 s5, s12;
	[sflag:s30] =	ssyncadd.s32 $0xFFFFC000  }
0x5d: {  	[tilespmem:s21], [sflag:$0x1] =	stream.linear.gather [hbm4b:s12+s2], $0x80, $0x38;
	[tilespmem:$0x1E980] =	vst v63  }
0x5e: {  	s12 =	sadd.s32 $0x80, s9  }
0x5f: {  	[tilespmem:s22], [sflag:$0x3] =	stream.indirect.gather [hbm4b:s4+s26], $0x80, s12, s26, $0xb8;
	[tilespmem:$0x1E980] =	vst v63  }
.Ltmp0:
0x60: {  	_ = 	snop;
	(pc) =	sbr.rel @p1 .LBB2_2-.Ltmp0, $4  }
0x61: {  	_ = 	snop  }
0x62: {  	[spmem:s1] =	stream.indirect.scatter.add.f32 [tilespmem:s28], [sflag:$0x5], $0x80, s25, s26, $0xb8;
	[tilespmem:$0x1E980] =	vst v63  }
0x63: {  	_ =	swait.ge [sflag:s19], $0x4000  }
0x64: {  	[sflag:s19] =	ssyncset.done $0x0  }
0x65: {  	[sflag:s19] =	ssyncadd.s32 $0xFFFFC000  }
0x66: {  	_ =	swait.ge [sflag:s23], $0x80  }
0x67: {  	[sflag:s23] =	ssyncset.done $0x0  }
0x68: {  	[sflag:s23] =	ssyncadd.s32 $0xFFFFFF80  }
0x69: {  	_ =	swait.ge [sflag:s24], $0x4000  }
0x6a: {  	[sflag:s24] =	ssyncset.done $0x0  }
0x6b: {  	[sflag:s24] =	ssyncadd.s32 $0xFFFFC000  }
0x6c: {  	[tilespmem:s25], [sflag:$0x2] =	stream.linear.gather [hbm4b:s15+s2], $0x80, $0x38;
	[tilespmem:$0x1E980] =	vst v63  }
0x6d: {  	s8 =	simm.s32 $0x2680  }
0x6e: {  	[tilespmem:s28], [sflag:$0x4] =	stream.indirect.gather [hbm4b:s4+s26], $0x80, s8, s26, $0xb8;
	[tilespmem:$0x1E980] =	vst v63  }
0x6f: {  	_ = 	snop  }
0x70: {  	[spmem:s1] =	stream.indirect.scatter.add.f32 [tilespmem:s22], [sflag:$0x5], $0x80, s21, s26, $0xb8;
	[tilespmem:$0x1E980] =	vst v63  }
0x71: {  	_ =	swait.ge [sflag:s19], $0x4000  }
0x72: {  	[sflag:s19] =	ssyncset.done $0x0  }
0x73: {  	[sflag:s19] =	ssyncadd.s32 $0xFFFFC000  }
0x74: {  	_ =	swait.ge [sflag:s29], $0x80  }
0x75: {  	[sflag:s29] =	ssyncset.done $0x0  }
0x76: {  	[sflag:s29] =	ssyncadd.s32 $0xFFFFFF80  }
0x77: {  	_ =	swait.ge [sflag:s30], $0x4000  }
0x78: {  	[sflag:s30] =	ssyncset.done $0x0  }
0x79: {  	[sflag:s30] =	ssyncadd.s32 $0xFFFFC000  }
0x7a: {  	[spmem:s1] =	stream.indirect.scatter.add.f32 [tilespmem:s28], [sflag:$0x5], $0x80, s25, s26, $0xb8;
	[tilespmem:$0x1E980] =	vst v63  }
0x7b: {  	_ =	swait.ge [sflag:s19], $0x4000  }
0x7c: {  	[sflag:s19] =	ssyncset.done $0x0  }
0x7d: {  	s9 =	rddreg [dreg:$0x7];
	[sflag:s19] =	ssyncadd.s32 $0xFFFFC000  }
0x7e: {  	[tilespmem:s0], [sflag:$0x5] =	stream.linear.gather [hbm4b:s9+s2], $0x10, $0x38;
	[tilespmem:$0x1E980] =	vst v63  }
0x7f: {  	_ =	swait.ge [sflag:s19], $0x10  }
0x80: {  	[sflag:s19] =	ssyncset.done $0x0  }
0x81: {  	s12 =	simm.s32 $0x2700;
	[sflag:s19] =	ssyncadd.s32 $0xFFFFFFF0  }
0x82: {  	[tilespmem:s31], [sflag:$0x5] =	stream.indirect.gather [hbm4b:s4+s3], $0x80, s12, s3, $0xb8;
	[tilespmem:$0x1E980] =	vst v63  }
0x83: {  	_ =	swait.ge [sflag:s19], $0x800  }
0x84: {  	[sflag:s19] =	ssyncset.done $0x0  }
0x85: {  	[sflag:s19] =	ssyncadd.s32 $0xFFFFF800  }
0x86: {  	[spmem:s1] =	stream.indirect.scatter.add.f32 [tilespmem:s31], [sflag:$0x5], $0x80, s0, s3, $0xb8;
	[tilespmem:$0x1E980] =	vst v63  }
0x87: {  	_ =	swait.ge [sflag:s19], $0x800  }
0x88: {  	[sflag:s19] =	ssyncset.done $0x0  }
0x89: {  	[sflag:s19] =	ssyncadd.s32 $0xFFFFF800  }
0x8a: {  	[bflag:$0x0] =	sbarrier.arrive $0xFFFF  }
0x8b: {  	s17 =	rddreg [dreg:$0x8]  }
0x8c: {  	[hbm:s17], [sflag:s7] =	dma.local [spmem:s18], $0x2700  }
0x8d: {  	s6 =	sadd.s32 $0x1, s6;
	_ =	swait.ge [sflag:s19], $0x2700  }
0x8e: {  	p1 =	sne.s32 s6, s14;
	[sflag:s19] =	ssyncset.done $0x0  }
.Ltmp1:
0x8f: {  	s8 =	simm.s32 @!p0 $0x5;
	[sflag:s19] =	ssyncadd.s32 $0xFFFFD900;
	(pc) =	sbr.rel @p1 .LBB2_1-.Ltmp1, $4  }
0x90: {  	[hbm:s13], [sflag:s7] =	dma.local @!p0 [spmem:s20], $0x100  }
0x91: {  	_ =	swait.ge @!p0 [sflag:s8], $0x100  }
0x92: {  	[sflag:s8] =	ssyncset.done @!p0 $0x0  }
0x93: {  	[sflag:s8] =	ssyncadd.s32 @!p0 $0xFFFFFF00  }
0x94: {  	_ =	sfence.sel $0x180000  }
0x95: {  	[bflag:$0x0] =	sbarrier.arrive $0xFFFF  }
0x96: {  	_ =	strace $0x9000004D  }
0x97: {  	s0 =	stileid.u32;
	[bflag:$0x2] =	sbarrier.arrive $0xFFFF  }
0x98: {  	p0 =	sne.s32 s0, $0x0;
	s0 =	rddreg [dreg:$0x3]  }
0x99: {  	s0 =	sadd.s32 @!p0 $0x100000, s0  }
0x9a: {  	[sflag:s0] =	ssyncadd.tile.s32 @!p0 $0x1;
	_ =	shalt  }
.Lfunc_end2:
_tile_overlayer_lowered:
.L_overlay_start_2:
0x9b: {  	(tag) =	ssettag $0x2  }
0x9c: {  	s0 =	rddreg [dreg:$0x0];
	s2 =	stileid.u32  }
0x9d: {  	s1 =	rddreg [dreg:$0x1];
	p0 =	sne.s32 s2, $0x0  }
0x9e: {  	s3 =	rddreg [dreg:$0x2];
	[bflag:$0x3] =	sbarrier.arrive $0xFFFF;
	s2 =	simm.s32 @!p0 $0x1C05  }
0x9f: {  	[timem:s3], [sflag:s2] =	dma.local @!p0 [hbm:s0], s1  }
0xa0: {  	s0 =	simm.s32 @!p0 $0x5  }
0xa1: {  	_ =	swait.ge @!p0 [sflag:s0], s1  }
0xa2: {  	s1 =	ssub.s32 @!p0 $0x0, s1;
	[sflag:s0] =	ssyncset.done @!p0 $0x0  }
0xa3: {  	[sflag:s0] =	ssyncadd.s32 @!p0 s1  }
0xa4: {  	[bflag:$0x3] =	sbarrier.arrive $0xFFFF  }
0xa5: {  	_ =	shalt  }

// kernel: kernel.8.cloned.1.call-start
scs
__scs_entry_jumppad:
0x0: {  	(pc) =	sbr.rel $0x88, $3  }
0x1: {  	(tag) =	ssettag $0x0;
	lr =	simm.s32 $0x1  }
0x2: {  	[smem:$0x3F95] =	sst lr;
	_ =	strace $0xD0000000  }
0x3: {  	_ = 	snop  }
0x4: {  	_ = 	snop  }
0x5: {  	_ = 	snop  }
0x6: {  	_ = 	snop  }
0x7: {  	_ = 	snop  }
__scs_overlays_trampoline_lowered:
0x8: {  	[smem:$0x3FA4] =	sst s0  }
0x9: {  	[smem:$0x3FA5] =	sst s1  }
0xa: {  	[smem:$0x3FA6] =	sst s2  }
0xb: {  	[smem:$0x3FA7] =	sst s3  }
0xc: {  	[smem:$0x3FA8] =	sst s4  }
0xd: {  	[smem:$0x3FA9] =	sst s5  }
0xe: {  	[smem:$0x3FAA] =	sst s6  }
0xf: {  	[smem:$0x3FAB] =	sst s7  }
0x10: {  	[smem:$0x3FAC] =	sst s8  }
0x11: {  	[smem:$0x3FAD] =	sst s9;
	s0 =	simm.s32 @!p0 $0x0  }
0x12: {  	s1 =	sld [smem:$0x3F93];
	s0 =	simm.s32 @p0 $0x1  }
0x13: {  	[smem:$0x3FAE] =	sst s0;
	s0 =	simm.s32 @!p1 $0x0  }
0x14: {  	s2 =	sld [smem:$0x3F92];
	s0 =	simm.s32 @p1 $0x1  }
0x15: {  	[smem:$0x3FAF] =	sst s0;
	s0 =	simm.s32 @!p2 $0x0  }
0x16: {  	s3 =	sld [smem:$0x3FDB];
	s0 =	simm.s32 @p2 $0x1  }
0x17: {  	s4 =	simm.s32 $0x1BF5;
	[smem:$0x3FB1] =	sst s0  }
0x18: {  	s0 =	sld [smem:$0x3F94];
	_ =	swait.ge [sflag:s4], $0x0  }
0x19: {  	s7 =	sld [smem:$0x3F95]  }
0x1a: {  	s8 =	sadd.s32 $0xFFFFE003, lr  }
0x1b: {  	s9 =	sadd.s32 $0xFFFFFEF7, lr;
	s5 =	simm.s32 $0xFFFFFFFF;
	p2 =	slt.u32 s8, $0xFFFFF086  }
0x1c: {  	p1 =	slt.u32 s9, $0xF7A;
	s5 =	simm.s32 @!p2 $0x0  }
0x1d: {  	s5 =	simm.s32 @p1 $0x1;
	p0 =	seq.s32 s7, s2  }
0x1e: {  	s7 =	smul.u32 @!p0 $0xF7A, s2;
	p2 =	seq.s32 @!p0 s5, $0x0  }
0x1f: {  	s9 =	smul.u32 $0xF7A, s1;
	s8 =	simm.s32 @!p0 $0x1BF5;
	p2 =	por !p2, p0  }
0x20: {  	[sflag:s8] =	ssyncset.s32 @!p0 $0xFFFFF086;
	s6 =	sadd.s32 @!p0 s3, s7;
	s7 =	simm.s32 @!p0 $0x108  }
0x21: {  	s3 =	sadd.s32 s3, s9;
	s6 =	sadd.s32 @!p0 $0x88, s6;
	s7 =	simm.s32 @p2 $0x1082  }
0x22: {  	[simem:s7], [sflag:s8] =	dma.local @!p0 [hbm:s6], $0xF7A  }
0x23: {  	s9 =	sor.u32 $0xD0000000, s2;
	s6 =	simm.s32 $0x108;
	_ =	swait.ge @!p0 [sflag:s8], $0x0  }
0x24: {  	s3 =	sadd.s32 $0x88, s3;
	s6 =	simm.s32 @!p1 $0x1082;
	[sflag:s4] =	ssyncset.s32 $0xFFFFF086  }
0x25: {  	[simem:s6], [sflag:s4] =	dma.local [hbm:s3], $0xF7A  }
0x26: {  	[smem:$0x3F95] =	sst s1;
	(tag) =	ssettag s2;
	_ =	strace s9  }
0x27: {  	s1 =	sld [smem:$0x3FA5]  }
0x28: {  	s2 =	sld [smem:$0x3FA6]  }
0x29: {  	s4 =	sld [smem:$0x3FA8]  }
0x2a: {  	p0 =	seq.s32 s5, $0x0;
	s5 =	sld [smem:$0x3FA9]  }
0x2b: {  	s6 =	sld [smem:$0x3FAA]  }
0x2c: {  	s7 =	sld [smem:$0x3FAB]  }
0x2d: {  	s3 =	simm.s32 $0x108;
	s8 =	sld [smem:$0x3FAC]  }
0x2e: {  	s3 =	simm.s32 @!p0 $0x1082;
	s9 =	sld [smem:$0x3FAD]  }
0x2f: {  	lr =	sadd.s32 s0, s3;
	s0 =	sld [smem:$0x3FA4]  }
0x30: {  	s3 =	sld [smem:$0x3FA7]  }
0x31: {  	[smem:$0x3FB0] =	sst s10  }
0x32: {  	s10 =	sld [smem:$0x3FAE];
	_ =	sdelay $0x3  }
0x33: {  	p0 =	seq.s32 s10, $0x1;
	s10 =	sld [smem:$0x3FB0];
	_ =	sdelay $0x3  }
0x34: {  	[smem:$0x3FB0] =	sst s10  }
0x35: {  	s10 =	sld [smem:$0x3FAF];
	_ =	sdelay $0x3  }
0x36: {  	p1 =	seq.s32 s10, $0x1;
	s10 =	sld [smem:$0x3FB0];
	_ =	sdelay $0x3  }
0x37: {  	[smem:$0x3FB0] =	sst s10  }
0x38: {  	s10 =	sld [smem:$0x3FB1]  }
0x39: {  	_ = 	snop;
	(pc) =	sbr.ind lr, $3  }
0x3a: {  	_ = 	snop  }
0x3b: {  	_ = 	snop  }
0x3c: {  	p2 =	seq.s32 s10, $0x1;
	s10 =	sld [smem:$0x3FB0]  }
0x3d: {  	_ =	shalt  }
0x3e: {  	_ =	shalt  }
0x3f: {  	_ =	shalt  }
0x40: {  	_ =	shalt  }
0x41: {  	_ =	shalt  }
0x42: {  	_ =	shalt  }
0x43: {  	_ =	shalt  }
0x44: {  	_ =	shalt  }
0x45: {  	_ =	shalt  }
0x46: {  	_ =	shalt  }
0x47: {  	_ =	shalt  }
0x48: {  	_ =	shalt  }
0x49: {  	_ =	shalt  }
0x4a: {  	_ =	shalt  }
0x4b: {  	_ =	shalt  }
0x4c: {  	_ =	shalt  }
0x4d: {  	_ =	shalt  }
0x4e: {  	_ =	shalt  }
0x4f: {  	_ =	shalt  }
0x50: {  	_ =	shalt  }
0x51: {  	_ =	shalt  }
0x52: {  	_ =	shalt  }
0x53: {  	_ =	shalt  }
0x54: {  	_ =	shalt  }
0x55: {  	_ =	shalt  }
0x56: {  	_ =	shalt  }
0x57: {  	_ =	shalt  }
0x58: {  	_ =	shalt  }
0x59: {  	_ =	shalt  }
0x5a: {  	_ =	shalt  }
0x5b: {  	_ =	shalt  }
0x5c: {  	_ =	shalt  }
0x5d: {  	_ =	shalt  }
0x5e: {  	_ =	shalt  }
0x5f: {  	_ =	shalt  }
0x60: {  	_ =	shalt  }
0x61: {  	_ =	shalt  }
0x62: {  	_ =	shalt  }
0x63: {  	_ =	shalt  }
0x64: {  	_ =	shalt  }
0x65: {  	_ =	shalt  }
0x66: {  	_ =	shalt  }
0x67: {  	_ =	shalt  }
0x68: {  	_ =	shalt  }
0x69: {  	_ =	shalt  }
0x6a: {  	_ =	shalt  }
0x6b: {  	_ =	shalt  }
0x6c: {  	_ =	shalt  }
0x6d: {  	_ =	shalt  }
0x6e: {  	_ =	shalt  }
0x6f: {  	_ =	shalt  }
0x70: {  	_ =	shalt  }
0x71: {  	_ =	shalt  }
0x72: {  	_ =	shalt  }
0x73: {  	_ =	shalt  }
0x74: {  	_ =	shalt  }
0x75: {  	_ =	shalt  }
0x76: {  	_ =	shalt  }
0x77: {  	_ =	shalt  }
0x78: {  	_ =	shalt  }
0x79: {  	_ =	shalt  }
0x7a: {  	_ =	shalt  }
0x7b: {  	_ =	shalt  }
0x7c: {  	_ =	shalt  }
0x7d: {  	_ =	shalt  }
0x7e: {  	_ =	shalt  }
0x7f: {  	_ =	shalt  }
0x80: {  	_ =	shalt  }
0x81: {  	_ =	shalt  }
0x82: {  	_ =	shalt  }
0x83: {  	_ =	shalt  }
0x84: {  	_ =	shalt  }
0x85: {  	_ =	shalt  }
0x86: {  	_ =	shalt  }
0x87: {  	_ =	shalt  }
.Lfunc_end0:
.L_simem_size_0:
called_computation_lowered:
.L_overlay_start_0:
0x88: {  	s2 =	sld [smem:$0x3FD9]  }
0x89: {  	s3 =	sld [smem:$0x3FFE];
	_ =	sdelay $0x1  }
0x8a: {  	s1 =	srdreg.scid  }
0x8b: {  	s0 =	sand.u32 $0x1, s1  }
0x8c: {  	s16 =	sshll.u32 s0, $0xA;
	s2 =	sadd.s32 s3, s2  }
0x8d: {  	s2 =	sadd.s32 s2, s16  }
0x8e: {  	[smem:$0x3FBC] =	sst s2  }
0x8f: {  	_ = 	snop  }
0x90: {  	(tm) =	ssettm $0x1  }
0x91: {  	s17 =	sld [smem:$0x3FFB];
	_ =	sdelay $0x3  }
0x92: {  	_ =	strace s17  }
0x93: {  	s2 =	sld [smem:$0x3FFC];
	_ =	sdelay $0x3  }
0x94: {  	_ =	strace s2  }
0x95: {  	s2 =	sld [smem:$0x3FFD];
	_ =	sdelay $0x3  }
0x96: {  	_ =	strace s2  }
0x97: {  	_ =	strace $0x8FFFFFFF  }
0x98: {  	s18 =	sld [smem:$0x3FDB];
	_ =	sdelay $0x1  }
0x99: {  	s19 =	simm.s32 $_scs_section_size  }
0x9a: {  	s4 =	simm.s32 $_size__tile_overlayer_lowered;
	s5 =	simm.s32 $_tile_overlayer_lowered  }
0x9b: {  	s22 =	simm.s32 $0x1BFF;
	s21 =	sshll.u32 s5, $0x1;
	s2 =	sadd.s32 s19, s18  }
0x9c: {  	s6 =	simm.s32 $0x0;
	s20 =	sshll.u32 s4, $0x1;
	s4 =	sadd.s32 s21, s2  }
0x9d: {  	[timem:s6], [sflag:s22] =	dma.local [hbm:s4], s20  }
0x9e: {  	_ =	swait.ge [sflag:s22], s20  }
0x9f: {  	s3 =	ssub.s32 $0x0, s20;
	[sflag:s22] =	ssyncset.done $0x0  }
0xa0: {  	[sflag:s22] =	ssyncadd.s32 s3;
	_ =	sdelay $0x1  }
0xa1: {  	s23 =	simm.s32 $0x1B8B  }
0xa2: {  	_ =	swait.ge [sflag:s23], $0x1  }
0xa3: {  	[sflag:s23] =	ssyncset.done $0x0  }
0xa4: {  	s25 =	simm.s32 $0x1B8E;
	s24 =	sld [smem:$0x3FFE];
	[sflag:s23] =	ssyncadd.s32 $0xFFFFFFFF  }
0xa5: {  	s26 =	simm.s32 $execute0_lowered;
	[smem:$0x3FD2] =	sst s25  }
0xa6: {  	s4 =	sshll.u32 s26, $0x1;
	_ =	strace $0x80000046;
	[dreg:$0x1] =	wrdreg $0xFFFFFFFF  }
0xa7: {  	s28 =	simm.s32 $_size_execute0_lowered;
	s2 =	sadd.s32 s2, s4;
	[dreg:$0x0] =	wrdreg $0x0  }
0xa8: {  	s4 =	sshll.u32 s28, $0x1;
	[dreg:$0x2] =	wrdreg s2  }
0xa9: {  	[dreg:$0x3] =	wrdreg s4  }
0xaa: {  	[dreg:$0x4] =	wrdreg $0xC0  }
0xab: {  	_ =	task [dreg:s6], $0x5FFFF  }
0xac: {  	[dreg:$0x1] =	wrdreg $0xFFFFFFFF  }
0xad: {  	[dreg:$0x0] =	wrdreg $0x60  }
0xae: {  	[dreg:$0x2] =	wrdreg s24  }
0xaf: {  	[dreg:$0x3] =	wrdreg $0x41800  }
0xb0: {  	[dreg:$0x4] =	wrdreg $0x9  }
0xb1: {  	_ =	task.clear_ibuf [dreg:s6], $0x5FFFF;
	_ =	strace $0x90000046  }
0xb2: {  	s29 =	simm.s32 $0x9;
	_ =	strace $0x80000048  }
0xb3: {  	_ =	swait.ge [sflag:s29], $0x1  }
0xb4: {  	[sflag:s29] =	ssyncadd.s32 $0xFFFFFFFF  }
0xb5: {  	_ =	strace $0x90000048  }
0xb6: {  	_ =	sfence  }
0xb7: {  	s30 =	sld [smem:$0x0];
	_ =	sdelay $0x2  }
0xb8: {  	s31 =	sshll.u32 s1, $0xD;
	s1 =	sshrl.u32 s1, $0x2  }
0xb9: {  	s3 =	sand.u32 $0x4000, s31;
	s1 =	sadd.s32 s1, s30  }
0xba: {  	s0 =	sor.u32 s3, s0;
	s1 =	sshll.u32 s1, $0x11  }
0xbb: {  	s0 =	sor.u32 s1, s0  }
0xbc: {  	s0 =	sadd.s32 $0x8F2B, s0  }
0xbd: {  	[sflag:s0] =	ssyncadd.remote.s32 $0x1  }
0xbe: {  	_ =	sfence.sel $0xFFFF  }
0xbf: {  	[dreg:$0x0] =	wrdreg $0xFFFFFFFF;
	(pc) =	sbr.abs _section_cstart, $3  }
0xc0: {  	[dreg:$0x1] =	wrdreg $0xFFFFFFFF  }
0xc1: {  	_ =	task.clear_ibuf [dreg:s6], $0x2FFFF;
	_ =	strace $0x9FFFFFFF  }
0xc2: {  	(tm) =	ssettm $0x7FFFFFFF  }
0xc3: {  	_ =	shalt  }
tec
execute0_lowered:
.L_overlay_start_1:
0x0: {  	(tag) =	ssettag $0x1  }
0x1: {  	s8 =	rddreg [dreg:$0x0]  }
0x2: {  	s1 =	rddreg [dreg:$0x1]  }
0x3: {  	s0 =	rddreg [dreg:$0x2];
	s2 =	simm.s32 $0x0  }
0x4: {  	s5 =	srdreg.scid;
	s3 =	stileid.u32;
	s20 =	simm.s32 $0x180  }
0x5: {  	s21 =	simm.s32 $0x1;
	s22 =	simm.s32 $0x80;
	s23 =	simm.s32 $0x2  }
0x6: {  	[smem:$0x7FF] =	sst s2;
	s4 =	sadd.s32 $0xD200, s8;
	s7 =	smul.u32 $0x4E000, s3  }
0x7: {  	s9 =	sand.u32 $0x1, s5;
	s5 =	sadd.s32 $0x3400, s8;
	s12 =	smul.u32 $0x13800, s3  }
0x8: {  	s13 =	sadd.s32 $0x34400, s8;
	s29 =	sshll.u32 s3, $0x6;
	s19 =	sadd.s32 $0x138000, s1  }
0x9: {  	s8 =	sadd.s32 $0x34200, s8;
	s16 =	smul.u32 $0x2710, s3;
	p0 =	sne.s32 s3, $0xF  }
0xa: {  	_ =	strace $0x80000047;
	s6 =	ssub.s32 $0x2, s9;
	s30 =	smul.u32 $0x138800, s9  }
0xb: {  	s11 =	sshll.u32 s9, $0x4;
	s15 =	smul.u32 $0x27100, s9;
	s19 =	sshrl.u32 @!p0 s19, $0x3  }
0xc: {  	s10 =	sshrl.u32 s6, $0x1;
	s24 =	sor.u32 s3, s11;
	s26 =	sshrl.u32 s7, $0x2  }
0xd: {  	s28 =	sshrl.u32 s12, $0x3;
	s7 =	sor.u32 $0x1C03, s29;
	s14 =	ssub.s32 s6, s10  }
0xe: {  	s25 =	smul.u32 $0x2710, s24;
	s17 =	sadd.s32 s26, s1;
	s6 =	sadd.s32 s4, s28  }
0xf: {  	s12 =	sadd.s32 s12, s30;
	s18 =	sshrl.u32 s30, $0x3;
	s15 =	sadd.s32 s16, s15  }
0x10: {  	s24 =	simm.s32 $0x100;
	s26 =	simm.s32 $0x0;
	s12 =	sshrl.u32 s12, $0x3  }
0x11: {  	s31 =	sadd.s32 s13, s18;
	s16 =	sadd.s32 $0x80, s15;
	s15 =	sadd.s32 $0x100, s15  }
0x12: {  	s17 =	sshrl.u32 s17, $0x3;
	s18 =	simm.s32 $0x3;
	s10 =	sshrl.u32 s25, $0x3  }
0x13: {  	s11 =	sadd.s32 s13, s12;
	s12 =	sadd.s32 $0x27000, s31;
	s13 =	smax.u32 s14, $0x1  }
0x14: {  	s16 =	sshrl.u32 s16, $0x3;
	s25 =	simm.s32 $0x10;
	s9 =	sadd.s32 s5, s10  }
0x15: {  	s16 =	sadd.s32 s16, s5;
	s10 =	sadd.s32 $0x4E0, s9;
	s14 =	sadd.s32 $0x4D0, s9  }
.LBB2_1:
0x16: {  	[spmem:s17], [sflag:s7] =	dma.local [hbm:s6], $0x2700  }
0x17: {  	_ =	swait.ge [sflag:s18], $0x2700  }
0x18: {  	[sflag:s18] =	ssyncset.done $0x0  }
0x19: {  	s28 =	simm.s32 @!p0 $0x3;
	[sflag:s18] =	ssyncadd.s32 $0xFFFFD900  }
0x1a: {  	[spmem:s19], [sflag:s7] =	dma.local @!p0 [hbm:s8], $0x100  }
0x1b: {  	_ =	swait.ge @!p0 [sflag:s28], $0x100  }
0x1c: {  	[sflag:s28] =	ssyncset.done @!p0 $0x0  }
0x1d: {  	[sflag:s28] =	ssyncadd.s32 @!p0 $0xFFFFFF00  }
0x1e: {  	[tilespmem:s20], [sflag:$0x3] =	stream.linear.gather [hbm4b:s4+s2], $0x4000, $0x38;
	[tilespmem:$0x17A00] =	vst v63  }
0x1f: {  	_ =	swait.ge [sflag:s18], $0x4000  }
0x20: {  	[sflag:s18] =	ssyncset.done $0x0  }
0x21: {  	[sflag:s18] =	ssyncadd.s32 $0xFFFFC000  }
0x22: {  	[bflag:$0x0] =	sbarrier.arrive $0xFFFF  }
0x23: {  	[tilespmem:s2], [sflag:$0x1] =	stream.linear.gather [hbm4b:s9+s2], $0x80, $0x38;
	[tilespmem:$0x17A00] =	vst v63  }
0x24: {  	_ =	swait.ge [sflag:s21], $0x80  }
0x25: {  	[sflag:s21] =	ssyncset.done $0x0  }
0x26: {  	s28 =	sadd.s32 $0x0, s16;
	[sflag:s21] =	ssyncadd.s32 $0xFFFFFF80  }
0x27: {  	[tilespmem:s22], [sflag:$0x2] =	stream.linear.gather [hbm4b:s28+s2], $0x80, $0x38;
	[tilespmem:$0x17A00] =	vst v63  }
0x28: {  	_ = 	snop  }
0x29: {  	[spmem:s1] =	stream.indirect.scatter.add.f32 [tilespmem:s20], [sflag:$0x3], $0x80, s2, s22, $0xb8;
	[tilespmem:$0x17A00] =	vst v63  }
0x2a: {  	_ =	swait.ge [sflag:s18], $0x4000  }
0x2b: {  	[sflag:s18] =	ssyncset.done $0x0  }
0x2c: {  	[sflag:s18] =	ssyncadd.s32 $0xFFFFC000  }
0x2d: {  	_ =	swait.ge [sflag:s23], $0x80  }
0x2e: {  	s28 =	sshrl.u32 s15, $0x3;
	[sflag:s23] =	ssyncset.done $0x0  }
0x2f: {  	s28 =	sadd.s32 s5, s28;
	[sflag:s23] =	ssyncadd.s32 $0xFFFFFF80  }
0x30: {  	[tilespmem:s2], [sflag:$0x1] =	stream.linear.gather [hbm4b:s28+s2], $0x80, $0x38;
	[tilespmem:$0x17A00] =	vst v63  }
0x31: {  	_ = 	snop  }
0x32: {  	[spmem:s1] =	stream.indirect.scatter.add.f32 [tilespmem:s20], [sflag:$0x3], $0x80, s22, s22, $0xb8;
	[tilespmem:$0x17A00] =	vst v63  }
0x33: {  	_ =	swait.ge [sflag:s18], $0x4000  }
0x34: {  	s29 =	smov.u32 s15;
	s28 =	simm.s32 $0x20;
	[sflag:s18] =	ssyncset.done $0x0  }
.LBB2_2:
0x35: {  	p1 =	sne.s32 s28, $0x4A0;
	[sflag:s18] =	ssyncadd.s32 $0xFFFFC000;
	s29 =	sadd.s32 $0x100, s29  }
0x36: {  	s30 =	smov.u32 s28;
	s28 =	sadd.s32 $0x20, s28  }
0x37: {  	_ =	swait.ge [sflag:s21], $0x80  }
0x38: {  	[sflag:s21] =	ssyncset.done $0x0  }
0x39: {  	s30 =	sadd.s32 s30, s16;
	[sflag:s21] =	ssyncadd.s32 $0xFFFFFF80  }
0x3a: {  	[tilespmem:s22], [sflag:$0x2] =	stream.linear.gather [hbm4b:s30+s2], $0x80, $0x38;
	[tilespmem:$0x17A00] =	vst v63  }
0x3b: {  	_ = 	snop  }
0x3c: {  	[spmem:s1] =	stream.indirect.scatter.add.f32 [tilespmem:s20], [sflag:$0x3], $0x80, s2, s22, $0xb8;
	[tilespmem:$0x17A00] =	vst v63  }
0x3d: {  	_ =	swait.ge [sflag:s18], $0x4000  }
0x3e: {  	[sflag:s18] =	ssyncset.done $0x0  }
0x3f: {  	[sflag:s18] =	ssyncadd.s32 $0xFFFFC000  }
0x40: {  	_ =	swait.ge [sflag:s23], $0x80  }
0x41: {  	s30 =	sshrl.u32 s29, $0x3;
	[sflag:s23] =	ssyncset.done $0x0  }
0x42: {  	s30 =	sadd.s32 s5, s30;
	[sflag:s23] =	ssyncadd.s32 $0xFFFFFF80  }
0x43: {  	[tilespmem:s2], [sflag:$0x1] =	stream.linear.gather [hbm4b:s30+s2], $0x80, $0x38;
	[tilespmem:$0x17A00] =	vst v63  }
.Ltmp0:
0x44: {  	_ = 	snop;
	(pc) =	sbr.rel @p1 .LBB2_2-.Ltmp0, $4  }
0x45: {  	_ = 	snop  }
0x46: {  	[spmem:s1] =	stream.indirect.scatter.add.f32 [tilespmem:s20], [sflag:$0x3], $0x80, s22, s22, $0xb8;
	[tilespmem:$0x17A00] =	vst v63  }
0x47: {  	_ =	swait.ge [sflag:s18], $0x4000  }
0x48: {  	[sflag:s18] =	ssyncset.done $0x0  }
0x49: {  	[sflag:s18] =	ssyncadd.s32 $0xFFFFC000  }
0x4a: {  	_ =	swait.ge [sflag:s21], $0x80  }
0x4b: {  	[sflag:s21] =	ssyncset.done $0x0  }
0x4c: {  	[sflag:s21] =	ssyncadd.s32 $0xFFFFFF80  }
0x4d: {  	[tilespmem:s22], [sflag:$0x2] =	stream.linear.gather [hbm4b:s14+s2], $0x80, $0x38;
	[tilespmem:$0x17A00] =	vst v63  }
0x4e: {  	_ = 	snop  }
0x4f: {  	[spmem:s1] =	stream.indirect.scatter.add.f32 [tilespmem:s20], [sflag:$0x3], $0x80, s2, s22, $0xb8;
	[tilespmem:$0x17A00] =	vst v63  }
0x50: {  	_ =	swait.ge [sflag:s18], $0x4000  }
0x51: {  	[sflag:s18] =	ssyncset.done $0x0  }
0x52: {  	[sflag:s18] =	ssyncadd.s32 $0xFFFFC000  }
0x53: {  	_ =	swait.ge [sflag:s23], $0x80  }
0x54: {  	[sflag:s23] =	ssyncset.done $0x0  }
0x55: {  	[sflag:s23] =	ssyncadd.s32 $0xFFFFFF80  }
0x56: {  	[spmem:s1] =	stream.indirect.scatter.add.f32 [tilespmem:s20], [sflag:$0x3], $0x80, s22, s22, $0xb8;
	[tilespmem:$0x17A00] =	vst v63  }
0x57: {  	_ =	swait.ge [sflag:s18], $0x4000  }
0x58: {  	[sflag:s18] =	ssyncset.done $0x0  }
0x59: {  	[sflag:s18] =	ssyncadd.s32 $0xFFFFC000  }
0x5a: {  	[tilespmem:s24], [sflag:$0x3] =	stream.linear.gather [hbm4b:s10+s2], $0x10, $0x38;
	[tilespmem:$0x17A00] =	vst v63  }
0x5b: {  	_ =	swait.ge [sflag:s18], $0x10  }
0x5c: {  	[sflag:s18] =	ssyncset.done $0x0  }
0x5d: {  	[sflag:s18] =	ssyncadd.s32 $0xFFFFFFF0  }
0x5e: {  	[spmem:s1] =	stream.indirect.scatter.add.f32 [tilespmem:s20], [sflag:$0x3], $0x80, s24, s25, $0xb8;
	[tilespmem:$0x17A00] =	vst v63  }
0x5f: {  	_ =	swait.ge [sflag:s18], $0x800  }
0x60: {  	[sflag:s18] =	ssyncset.done $0x0  }
0x61: {  	[sflag:s18] =	ssyncadd.s32 $0xFFFFF800  }
0x62: {  	[bflag:$0x0] =	sbarrier.arrive $0xFFFF  }
0x63: {  	[hbm:s11], [sflag:s7] =	dma.local [spmem:s17], $0x2700  }
0x64: {  	s26 =	sadd.s32 $0x1, s26;
	_ =	swait.ge [sflag:s18], $0x2700  }
0x65: {  	p1 =	sne.s32 s26, s13;
	[sflag:s18] =	ssyncset.done $0x0  }
.Ltmp1:
0x66: {  	s28 =	simm.s32 @!p0 $0x3;
	[sflag:s18] =	ssyncadd.s32 $0xFFFFD900;
	(pc) =	sbr.rel @p1 .LBB2_1-.Ltmp1, $4  }
0x67: {  	[hbm:s12], [sflag:s7] =	dma.local @!p0 [spmem:s19], $0x100  }
0x68: {  	_ =	swait.ge @!p0 [sflag:s28], $0x100  }
0x69: {  	[sflag:s28] =	ssyncset.done @!p0 $0x0  }
0x6a: {  	[sflag:s28] =	ssyncadd.s32 @!p0 $0xFFFFFF00  }
0x6b: {  	_ =	sfence.sel $0x180000  }
0x6c: {  	[bflag:$0x0] =	sbarrier.arrive $0xFFFF  }
0x6d: {  	p0 =	sne.s32 s3, $0x0;
	_ =	strace $0x90000047  }
0x6e: {  	s0 =	sadd.s32 @!p0 $0x100000, s0;
	[bflag:$0x2] =	sbarrier.arrive $0xFFFF  }
0x6f: {  	[sflag:s0] =	ssyncadd.tile.s32 @!p0 $0x1;
	_ =	shalt  }
.Lfunc_end2:
_tile_overlayer_lowered:
.L_overlay_start_2:
0x70: {  	(tag) =	ssettag $0x2  }
0x71: {  	s0 =	rddreg [dreg:$0x0];
	s2 =	stileid.u32  }
0x72: {  	s1 =	rddreg [dreg:$0x1];
	p0 =	sne.s32 s2, $0x0  }
0x73: {  	s3 =	rddreg [dreg:$0x2];
	[bflag:$0x3] =	sbarrier.arrive $0xFFFF;
	s2 =	simm.s32 @!p0 $0x1C03  }
0x74: {  	[timem:s3], [sflag:s2] =	dma.local @!p0 [hbm:s0], s1  }
0x75: {  	s0 =	simm.s32 @!p0 $0x3  }
0x76: {  	_ =	swait.ge @!p0 [sflag:s0], s1  }
0x77: {  	s1 =	ssub.s32 @!p0 $0x0, s1;
	[sflag:s0] =	ssyncset.done @!p0 $0x0  }
0x78: {  	[sflag:s0] =	ssyncadd.s32 @!p0 s1  }
0x79: {  	[bflag:$0x3] =	sbarrier.arrive $0xFFFF  }
0x7a: {  	_ =	shalt  }

</sc_bundles>
